<compile_context>
chip_gen: v7x
topology: tpu7x:2x2x1
jax: 0.10.2.dev20260603
libtpu: 0.0.44.dev20260713+nightly
codegen_flags: <defaults>
</compile_context>

<pallas_src>
import functools

import jax
import jax.numpy as jnp
from jax import lax
from jax.experimental import pallas as pl
from jax.experimental.pallas import tpu as pltpu
from jax.experimental.pallas import tpu_sc as plsc

D_MODEL = 64
DPAD = 128
CHUNK = 128
NC, NS = 2, 16
NW = NC * NS
NBUF = 5


@functools.cache
def _make_kernel(n_rows: int):
    n_chunks = n_rows // CHUNK
    cpw = n_chunks // NW
    n_grp = cpw // NBUF
    assert n_chunks % NW == 0 and cpw % NBUF == 0 and n_grp > 2
    mesh = plsc.VectorSubcoreMesh(core_axis_name="c", subcore_axis_name="s")

    @functools.partial(
        pl.kernel,
        out_type=jax.ShapeDtypeStruct((n_rows, DPAD), jnp.float32),
        mesh=mesh,
        scratch_types=[
            pltpu.VMEM((cpw * CHUNK,), jnp.int32),
            pltpu.VMEM((NBUF, CHUNK, DPAD), jnp.float32),
        ]
        + [pltpu.SemaphoreType.DMA] * (2 * NBUF),
    )
    def gather_kernel(idx_hbm, table_hbm, out_hbm, idx_v, rows_v, *sems):
        gsem = sems[:NBUF]
        osem = sems[NBUF:]
        wid = lax.axis_index("s") * NC + lax.axis_index("c")
        base = wid * cpw
        pltpu.sync_copy(idx_hbm.at[wid], idx_v)

        def fire(j, slot):
            pltpu.async_copy(table_hbm.at[idx_v.at[pl.ds(j * CHUNK, CHUNK)]],
                             rows_v.at[slot], gsem[slot])

        def wait_gather(slot):
            pltpu.make_async_copy(table_hbm.at[pl.ds(0, CHUNK)],
                                  rows_v.at[slot], gsem[slot]).wait()

        def put(j, slot):
            pltpu.async_copy(rows_v.at[slot],
                             out_hbm.at[pl.ds((base + j) * CHUNK, CHUNK)],
                             osem[slot])

        def wait_put(slot):
            pltpu.make_async_copy(rows_v.at[slot],
                                  out_hbm.at[pl.ds(0, CHUNK)],
                                  osem[slot]).wait()

        for slot in range(NBUF):
            fire(slot, slot)

        def body(g, _):
            for slot in range(NBUF):
                j = g * NBUF + slot
                wait_gather(slot)
                put(j, slot)
                wait_put(slot)
                fire(j + NBUF, slot)
            return 0

        lax.fori_loop(0, n_grp - 1, body, 0)

        for slot in range(NBUF):
            j = (n_grp - 1) * NBUF + slot
            wait_gather(slot)
            put(j, slot)
            wait_put(slot)

    return gather_kernel


def kernel(x, table):
    b, s = x.shape
    n_rows = b * s
    idx = x.astype(jnp.int32).reshape(NW, n_rows // NW)
    tpad = jnp.pad(table, ((0, 0), (0, DPAD - D_MODEL)))
    out = _make_kernel(n_rows)(idx, tpad)
    return out[:, :D_MODEL].reshape(b, s, D_MODEL)

# --- scband reference (transcript-rebuilt; emitter-appended) ---
"""Pipeline reference for scband-projected-token-embedding-87978110091766 (READ-ONLY COPY).

The authoritative reference and input builder live on the scoring server;
editing this copy changes nothing except your own understanding.
"""

import jax, jax.numpy as jnp
import numpy as np

VOCAB = 1000000
D_MODEL = 64

def setup_inputs(seed: int = 0) -> dict:
    key = jax.random.key(seed)
    k1, k2 = jax.random.split(key)
    x = jax.random.randint(k1, (4096, 200), 0, VOCAB, dtype=jnp.int64 if jax.config.jax_enable_x64 else jnp.int32)
    table = jax.random.normal(k2, (VOCAB, D_MODEL), dtype=jnp.float32)
    return {"x": x, "table": table}

def reference(x, table):
    # Faithful to ProjectedTokenEmbedding.forward with to_projected_space=False:
    # a plain embedding lookup (gather) of shape (batch, seq_len, d_model).
    embed = jnp.take(table, x, axis=0)
    return embed

if __name__ == "__main__":
    import jax
    _d = setup_inputs()
    print(jax.jit(kernel)(*tuple(_d.values())))

</pallas_src>

<mosaic_0001>
#map = affine_map<(d0, d1) -> (0, 0)>
module attributes {stable_mosaic.version = 14 : i64} {
  func.func @gather_kernel(%arg0: i32, %arg1: i32, %arg2: memref<32x25600xi32, #tpu.memory_space<hbm>>, %arg3: memref<1000000x128xf32, #tpu.memory_space<hbm>>, %arg4: memref<819200x128xf32, #tpu.memory_space<hbm>>, %arg5: memref<25600xi32, #tpu.memory_space<vmem>>, %arg6: memref<5x128x128xf32, #tpu.memory_space<vmem>>, %arg7: memref<!tpu.dma_semaphore, #tpu.memory_space<semaphore_mem>>, %arg8: memref<!tpu.dma_semaphore, #tpu.memory_space<semaphore_mem>>, %arg9: memref<!tpu.dma_semaphore, #tpu.memory_space<semaphore_mem>>, %arg10: memref<!tpu.dma_semaphore, #tpu.memory_space<semaphore_mem>>, %arg11: memref<!tpu.dma_semaphore, #tpu.memory_space<semaphore_mem>>, %arg12: memref<!tpu.dma_semaphore, #tpu.memory_space<semaphore_mem>>, %arg13: memref<!tpu.dma_semaphore, #tpu.memory_space<semaphore_mem>>, %arg14: memref<!tpu.dma_semaphore, #tpu.memory_space<semaphore_mem>>, %arg15: memref<!tpu.dma_semaphore, #tpu.memory_space<semaphore_mem>>, %arg16: memref<!tpu.dma_semaphore, #tpu.memory_space<semaphore_mem>>) attributes {dimension_semantics = [#tpu.dimension_semantics<core_parallel>, #tpu.dimension_semantics<subcore_parallel>], iteration_bounds = array<i64: 2, 16>, scalar_prefetch = 0 : i64, scratch_operands = 12 : i64, tpu.core_type = #tpu.core_type<sc_vector_subcore>, window_params = [{transform_indices = #map}, {transform_indices = #map}, {transform_indices = #map}]} {
    %mul3A = arith.constant 2 : i32
    %mul3A_0 = arith.muli %arg1, %mul3A : i32
    %add3A = arith.addi %mul3A_0, %arg0 : i32
    %mul3A_1 = arith.constant 200 : i32
    %mul3A_2 = arith.muli %add3A, %mul3A_1 : i32
    "tpu.region"() ({
      %run_scoped3A = tpu.sem_alloc : memref<!tpu.dma_semaphore, #tpu.memory_space<semaphore_mem>>
      %dma_start3A_292 = arith.constant 0 : i32
      %dma_start3A_293 = tpu.memref_slice %arg2[%add3A, %dma_start3A_292] : memref<32x25600xi32, #tpu.memory_space<hbm>> -> memref<1x25600xi32, #tpu.memory_space<hbm>>
      %dma_start3A_294 = tpu.memref_squeeze %dma_start3A_293 : memref<1x25600xi32, #tpu.memory_space<hbm>> -> memref<25600xi32, #tpu.memory_space<hbm>>
      %dma_start3A_295 = arith.constant 0 : i32
      %dma_start3A_296 = tpu.memref_slice %arg2[%add3A, %dma_start3A_295] : memref<32x25600xi32, #tpu.memory_space<hbm>> -> memref<1x25600xi32, #tpu.memory_space<hbm>>
      %dma_start3A_297 = tpu.memref_squeeze %dma_start3A_296 : memref<1x25600xi32, #tpu.memory_space<hbm>> -> memref<25600xi32, #tpu.memory_space<hbm>>
      tpu.enqueue_dma source(%dma_start3A_297 : memref<25600xi32, #tpu.memory_space<hbm>>) target(%arg5 : memref<25600xi32, #tpu.memory_space<vmem>>) target_semaphore(%run_scoped3A : memref<!tpu.dma_semaphore, #tpu.memory_space<semaphore_mem>>)
      %dma_wait3A_298 = arith.constant 0 : i32
      %dma_wait3A_299 = tpu.memref_slice %arg2[%add3A, %dma_wait3A_298] : memref<32x25600xi32, #tpu.memory_space<hbm>> -> memref<1x25600xi32, #tpu.memory_space<hbm>>
      %dma_wait3A_300 = tpu.memref_squeeze %dma_wait3A_299 : memref<1x25600xi32, #tpu.memory_space<hbm>> -> memref<25600xi32, #tpu.memory_space<hbm>>
      %dma_wait3A_301 = arith.constant 0 : i32
      %dma_wait3A_302 = tpu.memref_slice %arg2[%add3A, %dma_wait3A_301] : memref<32x25600xi32, #tpu.memory_space<hbm>> -> memref<1x25600xi32, #tpu.memory_space<hbm>>
      %dma_wait3A_303 = tpu.memref_squeeze %dma_wait3A_302 : memref<1x25600xi32, #tpu.memory_space<hbm>> -> memref<25600xi32, #tpu.memory_space<hbm>>
      tpu.wait_dma2 semaphore(%run_scoped3A : memref<!tpu.dma_semaphore, #tpu.memory_space<semaphore_mem>>) src(%dma_wait3A_303 : memref<25600xi32, #tpu.memory_space<hbm>>) dst(%arg5 : memref<25600xi32, #tpu.memory_space<vmem>>)
      tpu.yield
    }) : () -> ()
    %dma_start3A = arith.constant 0 : i32
    %dma_start3A_3 = arith.constant 0 : i32
    %dma_start3A_4 = arith.constant 0 : i32
    %dma_start3A_5 = tpu.memref_slice %arg6[%dma_start3A, %dma_start3A_3, %dma_start3A_4] : memref<5x128x128xf32, #tpu.memory_space<vmem>> -> memref<1x128x128xf32, #tpu.memory_space<vmem>>
    %dma_start3A_6 = tpu.memref_squeeze %dma_start3A_5 : memref<1x128x128xf32, #tpu.memory_space<vmem>> -> memref<128x128xf32, #tpu.memory_space<vmem>>
    %dma_start3A_7 = arith.constant 0 : i32
    %dma_start3A_8 = tpu.memref_slice %arg5[%dma_start3A_7] : memref<25600xi32, #tpu.memory_space<vmem>> -> memref<128xi32, #tpu.memory_space<vmem>>
    %dma_start3A_9 = arith.constant 0 : i32
    %dma_start3A_10 = arith.constant 0 : i32
    %dma_start3A_11 = tpu.memref_slice %arg3[%dma_start3A_9, %dma_start3A_10] : memref<1000000x128xf32, #tpu.memory_space<hbm>> -> memref<1000000x128xf32, #tpu.memory_space<hbm>>
    tpu.enqueue_indirect_dma source(%dma_start3A_11 : memref<1000000x128xf32, #tpu.memory_space<hbm>>) target(%dma_start3A_6 : memref<128x128xf32, #tpu.memory_space<vmem>>) offsets(%dma_start3A_8 : memref<128xi32, #tpu.memory_space<vmem>>) semaphore(%arg7 : memref<!tpu.dma_semaphore, #tpu.memory_space<semaphore_mem>>)
    %dma_start3A_12 = arith.constant 1 : i32
    %dma_start3A_13 = arith.constant 0 : i32
    %dma_start3A_14 = arith.constant 0 : i32
    %dma_start3A_15 = tpu.memref_slice %arg6[%dma_start3A_12, %dma_start3A_13, %dma_start3A_14] : memref<5x128x128xf32, #tpu.memory_space<vmem>> -> memref<1x128x128xf32, #tpu.memory_space<vmem>>
    %dma_start3A_16 = tpu.memref_squeeze %dma_start3A_15 : memref<1x128x128xf32, #tpu.memory_space<vmem>> -> memref<128x128xf32, #tpu.memory_space<vmem>>
    %dma_start3A_17 = arith.constant 128 : i32
    %dma_start3A_18 = tpu.memref_slice %arg5[%dma_start3A_17] : memref<25600xi32, #tpu.memory_space<vmem>> -> memref<128xi32, #tpu.memory_space<vmem>>
    %dma_start3A_19 = arith.constant 0 : i32
    %dma_start3A_20 = arith.constant 0 : i32
    %dma_start3A_21 = tpu.memref_slice %arg3[%dma_start3A_19, %dma_start3A_20] : memref<1000000x128xf32, #tpu.memory_space<hbm>> -> memref<1000000x128xf32, #tpu.memory_space<hbm>>
    tpu.enqueue_indirect_dma source(%dma_start3A_21 : memref<1000000x128xf32, #tpu.memory_space<hbm>>) target(%dma_start3A_16 : memref<128x128xf32, #tpu.memory_space<vmem>>) offsets(%dma_start3A_18 : memref<128xi32, #tpu.memory_space<vmem>>) semaphore(%arg8 : memref<!tpu.dma_semaphore, #tpu.memory_space<semaphore_mem>>)
    %dma_start3A_22 = arith.constant 2 : i32
    %dma_start3A_23 = arith.constant 0 : i32
    %dma_start3A_24 = arith.constant 0 : i32
    %dma_start3A_25 = tpu.memref_slice %arg6[%dma_start3A_22, %dma_start3A_23, %dma_start3A_24] : memref<5x128x128xf32, #tpu.memory_space<vmem>> -> memref<1x128x128xf32, #tpu.memory_space<vmem>>
    %dma_start3A_26 = tpu.memref_squeeze %dma_start3A_25 : memref<1x128x128xf32, #tpu.memory_space<vmem>> -> memref<128x128xf32, #tpu.memory_space<vmem>>
    %dma_start3A_27 = arith.constant 256 : i32
    %dma_start3A_28 = tpu.memref_slice %arg5[%dma_start3A_27] : memref<25600xi32, #tpu.memory_space<vmem>> -> memref<128xi32, #tpu.memory_space<vmem>>
    %dma_start3A_29 = arith.constant 0 : i32
    %dma_start3A_30 = arith.constant 0 : i32
    %dma_start3A_31 = tpu.memref_slice %arg3[%dma_start3A_29, %dma_start3A_30] : memref<1000000x128xf32, #tpu.memory_space<hbm>> -> memref<1000000x128xf32, #tpu.memory_space<hbm>>
    tpu.enqueue_indirect_dma source(%dma_start3A_31 : memref<1000000x128xf32, #tpu.memory_space<hbm>>) target(%dma_start3A_26 : memref<128x128xf32, #tpu.memory_space<vmem>>) offsets(%dma_start3A_28 : memref<128xi32, #tpu.memory_space<vmem>>) semaphore(%arg9 : memref<!tpu.dma_semaphore, #tpu.memory_space<semaphore_mem>>)
    %dma_start3A_32 = arith.constant 3 : i32
    %dma_start3A_33 = arith.constant 0 : i32
    %dma_start3A_34 = arith.constant 0 : i32
    %dma_start3A_35 = tpu.memref_slice %arg6[%dma_start3A_32, %dma_start3A_33, %dma_start3A_34] : memref<5x128x128xf32, #tpu.memory_space<vmem>> -> memref<1x128x128xf32, #tpu.memory_space<vmem>>
    %dma_start3A_36 = tpu.memref_squeeze %dma_start3A_35 : memref<1x128x128xf32, #tpu.memory_space<vmem>> -> memref<128x128xf32, #tpu.memory_space<vmem>>
    %dma_start3A_37 = arith.constant 384 : i32
    %dma_start3A_38 = tpu.memref_slice %arg5[%dma_start3A_37] : memref<25600xi32, #tpu.memory_space<vmem>> -> memref<128xi32, #tpu.memory_space<vmem>>
    %dma_start3A_39 = arith.constant 0 : i32
    %dma_start3A_40 = arith.constant 0 : i32
    %dma_start3A_41 = tpu.memref_slice %arg3[%dma_start3A_39, %dma_start3A_40] : memref<1000000x128xf32, #tpu.memory_space<hbm>> -> memref<1000000x128xf32, #tpu.memory_space<hbm>>
    tpu.enqueue_indirect_dma source(%dma_start3A_41 : memref<1000000x128xf32, #tpu.memory_space<hbm>>) target(%dma_start3A_36 : memref<128x128xf32, #tpu.memory_space<vmem>>) offsets(%dma_start3A_38 : memref<128xi32, #tpu.memory_space<vmem>>) semaphore(%arg10 : memref<!tpu.dma_semaphore, #tpu.memory_space<semaphore_mem>>)
    %dma_start3A_42 = arith.constant 4 : i32
    %dma_start3A_43 = arith.constant 0 : i32
    %dma_start3A_44 = arith.constant 0 : i32
    %dma_start3A_45 = tpu.memref_slice %arg6[%dma_start3A_42, %dma_start3A_43, %dma_start3A_44] : memref<5x128x128xf32, #tpu.memory_space<vmem>> -> memref<1x128x128xf32, #tpu.memory_space<vmem>>
    %dma_start3A_46 = tpu.memref_squeeze %dma_start3A_45 : memref<1x128x128xf32, #tpu.memory_space<vmem>> -> memref<128x128xf32, #tpu.memory_space<vmem>>
    %dma_start3A_47 = arith.constant 512 : i32
    %dma_start3A_48 = tpu.memref_slice %arg5[%dma_start3A_47] : memref<25600xi32, #tpu.memory_space<vmem>> -> memref<128xi32, #tpu.memory_space<vmem>>
    %dma_start3A_49 = arith.constant 0 : i32
    %dma_start3A_50 = arith.constant 0 : i32
    %dma_start3A_51 = tpu.memref_slice %arg3[%dma_start3A_49, %dma_start3A_50] : memref<1000000x128xf32, #tpu.memory_space<hbm>> -> memref<1000000x128xf32, #tpu.memory_space<hbm>>
    tpu.enqueue_indirect_dma source(%dma_start3A_51 : memref<1000000x128xf32, #tpu.memory_space<hbm>>) target(%dma_start3A_46 : memref<128x128xf32, #tpu.memory_space<vmem>>) offsets(%dma_start3A_48 : memref<128xi32, #tpu.memory_space<vmem>>) semaphore(%arg11 : memref<!tpu.dma_semaphore, #tpu.memory_space<semaphore_mem>>)
    %scan3A = arith.constant 0 : i32
    %scan3A_52 = arith.constant 0 : i32
    %scan3A_53 = arith.constant 39 : i32
    %scan3A_54 = arith.addi %scan3A_52, %scan3A_53 : i32
    %scan3A_55 = arith.constant 1 : i32
    %scan3A_56 = scf.for %scan3A_292 = %scan3A_52 to %scan3A_54 step %scan3A_55 iter_args(%scan3A_293 = %scan3A) -> (i32)  : i32 {
      %mul3A_294 = arith.constant 5 : i32
      %mul3A_295 = arith.muli %scan3A_292, %mul3A_294 : i32
      %add3A_296 = arith.constant 0 : i32
      %add3A_297 = arith.addi %mul3A_295, %add3A_296 : i32
      %dma_wait3A_298 = arith.constant 0 : i32
      %dma_wait3A_299 = arith.constant 0 : i32
      %dma_wait3A_300 = arith.constant 0 : i32
      %dma_wait3A_301 = tpu.memref_slice %arg6[%dma_wait3A_298, %dma_wait3A_299, %dma_wait3A_300] : memref<5x128x128xf32, #tpu.memory_space<vmem>> -> memref<1x128x128xf32, #tpu.memory_space<vmem>>
      %dma_wait3A_302 = tpu.memref_squeeze %dma_wait3A_301 : memref<1x128x128xf32, #tpu.memory_space<vmem>> -> memref<128x128xf32, #tpu.memory_space<vmem>>
      %dma_wait3A_303 = arith.constant 0 : i32
      %dma_wait3A_304 = arith.constant 0 : i32
      %dma_wait3A_305 = tpu.memref_slice %arg3[%dma_wait3A_303, %dma_wait3A_304] : memref<1000000x128xf32, #tpu.memory_space<hbm>> -> memref<128x128xf32, #tpu.memory_space<hbm>>
      %dma_wait3A_306 = arith.constant 0 : i32
      %dma_wait3A_307 = arith.constant 0 : i32
      %dma_wait3A_308 = tpu.memref_slice %arg6[%dma_wait3A_298, %dma_wait3A_306, %dma_wait3A_307] : memref<5x128x128xf32, #tpu.memory_space<vmem>> -> memref<1x128x128xf32, #tpu.memory_space<vmem>>
      %dma_wait3A_309 = tpu.memref_squeeze %dma_wait3A_308 : memref<1x128x128xf32, #tpu.memory_space<vmem>> -> memref<128x128xf32, #tpu.memory_space<vmem>>
      %dma_wait3A_310 = arith.constant 0 : i32
      %dma_wait3A_311 = arith.constant 0 : i32
      %dma_wait3A_312 = tpu.memref_slice %arg3[%dma_wait3A_310, %dma_wait3A_311] : memref<1000000x128xf32, #tpu.memory_space<hbm>> -> memref<128x128xf32, #tpu.memory_space<hbm>>
      tpu.wait_dma2 semaphore(%arg7 : memref<!tpu.dma_semaphore, #tpu.memory_space<semaphore_mem>>) src(%dma_wait3A_312 : memref<128x128xf32, #tpu.memory_space<hbm>>) dst(%dma_wait3A_309 : memref<128x128xf32, #tpu.memory_space<vmem>>)
      %add3A_313 = arith.addi %mul3A_2, %add3A_297 : i32
      %mul3A_314 = arith.constant 128 : i32
      %mul3A_315 = arith.muli %add3A_313, %mul3A_314 : i32
      %dma_start3A_316 = arith.constant 0 : i32
      %dma_start3A_317 = arith.constant 0 : i32
      %dma_start3A_318 = arith.constant 0 : i32
      %dma_start3A_319 = tpu.memref_slice %arg6[%dma_start3A_316, %dma_start3A_317, %dma_start3A_318] : memref<5x128x128xf32, #tpu.memory_space<vmem>> -> memref<1x128x128xf32, #tpu.memory_space<vmem>>
      %dma_start3A_320 = tpu.memref_squeeze %dma_start3A_319 : memref<1x128x128xf32, #tpu.memory_space<vmem>> -> memref<128x128xf32, #tpu.memory_space<vmem>>
      %dma_start3A_321 = arith.constant 0 : i32
      %dma_start3A_322 = tpu.memref_slice %arg4[%mul3A_315, %dma_start3A_321] : memref<819200x128xf32, #tpu.memory_space<hbm>> -> memref<128x128xf32, #tpu.memory_space<hbm>>
      %dma_start3A_323 = arith.constant 0 : i32
      %dma_start3A_324 = tpu.memref_slice %arg4[%mul3A_315, %dma_start3A_323] : memref<819200x128xf32, #tpu.memory_space<hbm>> -> memref<128x128xf32, #tpu.memory_space<hbm>>
      %dma_start3A_325 = arith.constant 0 : i32
      %dma_start3A_326 = arith.constant 0 : i32
      %dma_start3A_327 = tpu.memref_slice %arg6[%dma_start3A_316, %dma_start3A_325, %dma_start3A_326] : memref<5x128x128xf32, #tpu.memory_space<vmem>> -> memref<1x128x128xf32, #tpu.memory_space<vmem>>
      %dma_start3A_328 = tpu.memref_squeeze %dma_start3A_327 : memref<1x128x128xf32, #tpu.memory_space<vmem>> -> memref<128x128xf32, #tpu.memory_space<vmem>>
      tpu.enqueue_dma source(%dma_start3A_328 : memref<128x128xf32, #tpu.memory_space<vmem>>) target(%dma_start3A_324 : memref<128x128xf32, #tpu.memory_space<hbm>>) target_semaphore(%arg12 : memref<!tpu.dma_semaphore, #tpu.memory_space<semaphore_mem>>)
      %dma_wait3A_329 = arith.constant 0 : i32
      %dma_wait3A_330 = arith.constant 0 : i32
      %dma_wait3A_331 = arith.constant 0 : i32
      %dma_wait3A_332 = tpu.memref_slice %arg6[%dma_wait3A_329, %dma_wait3A_330, %dma_wait3A_331] : memref<5x128x128xf32, #tpu.memory_space<vmem>> -> memref<1x128x128xf32, #tpu.memory_space<vmem>>
      %dma_wait3A_333 = tpu.memref_squeeze %dma_wait3A_332 : memref<1x128x128xf32, #tpu.memory_space<vmem>> -> memref<128x128xf32, #tpu.memory_space<vmem>>
      %dma_wait3A_334 = arith.constant 0 : i32
      %dma_wait3A_335 = arith.constant 0 : i32
      %dma_wait3A_336 = tpu.memref_slice %arg4[%dma_wait3A_334, %dma_wait3A_335] : memref<819200x128xf32, #tpu.memory_space<hbm>> -> memref<128x128xf32, #tpu.memory_space<hbm>>
      %dma_wait3A_337 = arith.constant 0 : i32
      %dma_wait3A_338 = arith.constant 0 : i32
      %dma_wait3A_339 = tpu.memref_slice %arg4[%dma_wait3A_337, %dma_wait3A_338] : memref<819200x128xf32, #tpu.memory_space<hbm>> -> memref<128x128xf32, #tpu.memory_space<hbm>>
      %dma_wait3A_340 = arith.constant 0 : i32
      %dma_wait3A_341 = arith.constant 0 : i32
      %dma_wait3A_342 = tpu.memref_slice %arg6[%dma_wait3A_329, %dma_wait3A_340, %dma_wait3A_341] : memref<5x128x128xf32, #tpu.memory_space<vmem>> -> memref<1x128x128xf32, #tpu.memory_space<vmem>>
      %dma_wait3A_343 = tpu.memref_squeeze %dma_wait3A_342 : memref<1x128x128xf32, #tpu.memory_space<vmem>> -> memref<128x128xf32, #tpu.memory_space<vmem>>
      tpu.wait_dma2 semaphore(%arg12 : memref<!tpu.dma_semaphore, #tpu.memory_space<semaphore_mem>>) src(%dma_wait3A_343 : memref<128x128xf32, #tpu.memory_space<vmem>>) dst(%dma_wait3A_339 : memref<128x128xf32, #tpu.memory_space<hbm>>)
      %add3A_344 = arith.constant 5 : i32
      %add3A_345 = arith.addi %add3A_297, %add3A_344 : i32
      %mul3A_346 = arith.constant 128 : i32
      %mul3A_347 = arith.muli %add3A_345, %mul3A_346 : i32
      %dma_start3A_348 = arith.constant 0 : i32
      %dma_start3A_349 = arith.constant 0 : i32
      %dma_start3A_350 = arith.constant 0 : i32
      %dma_start3A_351 = tpu.memref_slice %arg6[%dma_start3A_348, %dma_start3A_349, %dma_start3A_350] : memref<5x128x128xf32, #tpu.memory_space<vmem>> -> memref<1x128x128xf32, #tpu.memory_space<vmem>>
      %dma_start3A_352 = tpu.memref_squeeze %dma_start3A_351 : memref<1x128x128xf32, #tpu.memory_space<vmem>> -> memref<128x128xf32, #tpu.memory_space<vmem>>
      %dma_start3A_353 = tpu.memref_slice %arg5[%mul3A_347] : memref<25600xi32, #tpu.memory_space<vmem>> -> memref<128xi32, #tpu.memory_space<vmem>>
      %dma_start3A_354 = arith.constant 0 : i32
      %dma_start3A_355 = arith.constant 0 : i32
      %dma_start3A_356 = tpu.memref_slice %arg3[%dma_start3A_354, %dma_start3A_355] : memref<1000000x128xf32, #tpu.memory_space<hbm>> -> memref<1000000x128xf32, #tpu.memory_space<hbm>>
      tpu.enqueue_indirect_dma source(%dma_start3A_356 : memref<1000000x128xf32, #tpu.memory_space<hbm>>) target(%dma_start3A_352 : memref<128x128xf32, #tpu.memory_space<vmem>>) offsets(%dma_start3A_353 : memref<128xi32, #tpu.memory_space<vmem>>) semaphore(%arg7 : memref<!tpu.dma_semaphore, #tpu.memory_space<semaphore_mem>>)
      %mul3A_357 = arith.constant 5 : i32
      %mul3A_358 = arith.muli %scan3A_292, %mul3A_357 : i32
      %add3A_359 = arith.constant 1 : i32
      %add3A_360 = arith.addi %mul3A_358, %add3A_359 : i32
      %dma_wait3A_361 = arith.constant 1 : i32
      %dma_wait3A_362 = arith.constant 0 : i32
      %dma_wait3A_363 = arith.constant 0 : i32
      %dma_wait3A_364 = tpu.memref_slice %arg6[%dma_wait3A_361, %dma_wait3A_362, %dma_wait3A_363] : memref<5x128x128xf32, #tpu.memory_space<vmem>> -> memref<1x128x128xf32, #tpu.memory_space<vmem>>
      %dma_wait3A_365 = tpu.memref_squeeze %dma_wait3A_364 : memref<1x128x128xf32, #tpu.memory_space<vmem>> -> memref<128x128xf32, #tpu.memory_space<vmem>>
      %dma_wait3A_366 = arith.constant 0 : i32
      %dma_wait3A_367 = arith.constant 0 : i32
      %dma_wait3A_368 = tpu.memref_slice %arg3[%dma_wait3A_366, %dma_wait3A_367] : memref<1000000x128xf32, #tpu.memory_space<hbm>> -> memref<128x128xf32, #tpu.memory_space<hbm>>
      %dma_wait3A_369 = arith.constant 0 : i32
      %dma_wait3A_370 = arith.constant 0 : i32
      %dma_wait3A_371 = tpu.memref_slice %arg6[%dma_wait3A_361, %dma_wait3A_369, %dma_wait3A_370] : memref<5x128x128xf32, #tpu.memory_space<vmem>> -> memref<1x128x128xf32, #tpu.memory_space<vmem>>
      %dma_wait3A_372 = tpu.memref_squeeze %dma_wait3A_371 : memref<1x128x128xf32, #tpu.memory_space<vmem>> -> memref<128x128xf32, #tpu.memory_space<vmem>>
      %dma_wait3A_373 = arith.constant 0 : i32
      %dma_wait3A_374 = arith.constant 0 : i32
      %dma_wait3A_375 = tpu.memref_slice %arg3[%dma_wait3A_373, %dma_wait3A_374] : memref<1000000x128xf32, #tpu.memory_space<hbm>> -> memref<128x128xf32, #tpu.memory_space<hbm>>
      tpu.wait_dma2 semaphore(%arg8 : memref<!tpu.dma_semaphore, #tpu.memory_space<semaphore_mem>>) src(%dma_wait3A_375 : memref<128x128xf32, #tpu.memory_space<hbm>>) dst(%dma_wait3A_372 : memref<128x128xf32, #tpu.memory_space<vmem>>)
      %add3A_376 = arith.addi %mul3A_2, %add3A_360 : i32
      %mul3A_377 = arith.constant 128 : i32
      %mul3A_378 = arith.muli %add3A_376, %mul3A_377 : i32
      %dma_start3A_379 = arith.constant 1 : i32
      %dma_start3A_380 = arith.constant 0 : i32
      %dma_start3A_381 = arith.constant 0 : i32
      %dma_start3A_382 = tpu.memref_slice %arg6[%dma_start3A_379, %dma_start3A_380, %dma_start3A_381] : memref<5x128x128xf32, #tpu.memory_space<vmem>> -> memref<1x128x128xf32, #tpu.memory_space<vmem>>
      %dma_start3A_383 = tpu.memref_squeeze %dma_start3A_382 : memref<1x128x128xf32, #tpu.memory_space<vmem>> -> memref<128x128xf32, #tpu.memory_space<vmem>>
      %dma_start3A_384 = arith.constant 0 : i32
      %dma_start3A_385 = tpu.memref_slice %arg4[%mul3A_378, %dma_start3A_384] : memref<819200x128xf32, #tpu.memory_space<hbm>> -> memref<128x128xf32, #tpu.memory_space<hbm>>
      %dma_start3A_386 = arith.constant 0 : i32
      %dma_start3A_387 = tpu.memref_slice %arg4[%mul3A_378, %dma_start3A_386] : memref<819200x128xf32, #tpu.memory_space<hbm>> -> memref<128x128xf32, #tpu.memory_space<hbm>>
      %dma_start3A_388 = arith.constant 0 : i32
      %dma_start3A_389 = arith.constant 0 : i32
      %dma_start3A_390 = tpu.memref_slice %arg6[%dma_start3A_379, %dma_start3A_388, %dma_start3A_389] : memref<5x128x128xf32, #tpu.memory_space<vmem>> -> memref<1x128x128xf32, #tpu.memory_space<vmem>>
      %dma_start3A_391 = tpu.memref_squeeze %dma_start3A_390 : memref<1x128x128xf32, #tpu.memory_space<vmem>> -> memref<128x128xf32, #tpu.memory_space<vmem>>
      tpu.enqueue_dma source(%dma_start3A_391 : memref<128x128xf32, #tpu.memory_space<vmem>>) target(%dma_start3A_387 : memref<128x128xf32, #tpu.memory_space<hbm>>) target_semaphore(%arg13 : memref<!tpu.dma_semaphore, #tpu.memory_space<semaphore_mem>>)
      %dma_wait3A_392 = arith.constant 1 : i32
      %dma_wait3A_393 = arith.constant 0 : i32
      %dma_wait3A_394 = arith.constant 0 : i32
      %dma_wait3A_395 = tpu.memref_slice %arg6[%dma_wait3A_392, %dma_wait3A_393, %dma_wait3A_394] : memref<5x128x128xf32, #tpu.memory_space<vmem>> -> memref<1x128x128xf32, #tpu.memory_space<vmem>>
      %dma_wait3A_396 = tpu.memref_squeeze %dma_wait3A_395 : memref<1x128x128xf32, #tpu.memory_space<vmem>> -> memref<128x128xf32, #tpu.memory_space<vmem>>
      %dma_wait3A_397 = arith.constant 0 : i32
      %dma_wait3A_398 = arith.constant 0 : i32
      %dma_wait3A_399 = tpu.memref_slice %arg4[%dma_wait3A_397, %dma_wait3A_398] : memref<819200x128xf32, #tpu.memory_space<hbm>> -> memref<128x128xf32, #tpu.memory_space<hbm>>
      %dma_wait3A_400 = arith.constant 0 : i32
      %dma_wait3A_401 = arith.constant 0 : i32
      %dma_wait3A_402 = tpu.memref_slice %arg4[%dma_wait3A_400, %dma_wait3A_401] : memref<819200x128xf32, #tpu.memory_space<hbm>> -> memref<128x128xf32, #tpu.memory_space<hbm>>
      %dma_wait3A_403 = arith.constant 0 : i32
      %dma_wait3A_404 = arith.constant 0 : i32
      %dma_wait3A_405 = tpu.memref_slice %arg6[%dma_wait3A_392, %dma_wait3A_403, %dma_wait3A_404] : memref<5x128x128xf32, #tpu.memory_space<vmem>> -> memref<1x128x128xf32, #tpu.memory_space<vmem>>
      %dma_wait3A_406 = tpu.memref_squeeze %dma_wait3A_405 : memref<1x128x128xf32, #tpu.memory_space<vmem>> -> memref<128x128xf32, #tpu.memory_space<vmem>>
      tpu.wait_dma2 semaphore(%arg13 : memref<!tpu.dma_semaphore, #tpu.memory_space<semaphore_mem>>) src(%dma_wait3A_406 : memref<128x128xf32, #tpu.memory_space<vmem>>) dst(%dma_wait3A_402 : memref<128x128xf32, #tpu.memory_space<hbm>>)
      %add3A_407 = arith.constant 5 : i32
      %add3A_408 = arith.addi %add3A_360, %add3A_407 : i32
      %mul3A_409 = arith.constant 128 : i32
      %mul3A_410 = arith.muli %add3A_408, %mul3A_409 : i32
      %dma_start3A_411 = arith.constant 1 : i32
      %dma_start3A_412 = arith.constant 0 : i32
      %dma_start3A_413 = arith.constant 0 : i32
      %dma_start3A_414 = tpu.memref_slice %arg6[%dma_start3A_411, %dma_start3A_412, %dma_start3A_413] : memref<5x128x128xf32, #tpu.memory_space<vmem>> -> memref<1x128x128xf32, #tpu.memory_space<vmem>>
      %dma_start3A_415 = tpu.memref_squeeze %dma_start3A_414 : memref<1x128x128xf32, #tpu.memory_space<vmem>> -> memref<128x128xf32, #tpu.memory_space<vmem>>
      %dma_start3A_416 = tpu.memref_slice %arg5[%mul3A_410] : memref<25600xi32, #tpu.memory_space<vmem>> -> memref<128xi32, #tpu.memory_space<vmem>>
      %dma_start3A_417 = arith.constant 0 : i32
      %dma_start3A_418 = arith.constant 0 : i32
      %dma_start3A_419 = tpu.memref_slice %arg3[%dma_start3A_417, %dma_start3A_418] : memref<1000000x128xf32, #tpu.memory_space<hbm>> -> memref<1000000x128xf32, #tpu.memory_space<hbm>>
      tpu.enqueue_indirect_dma source(%dma_start3A_419 : memref<1000000x128xf32, #tpu.memory_space<hbm>>) target(%dma_start3A_415 : memref<128x128xf32, #tpu.memory_space<vmem>>) offsets(%dma_start3A_416 : memref<128xi32, #tpu.memory_space<vmem>>) semaphore(%arg8 : memref<!tpu.dma_semaphore, #tpu.memory_space<semaphore_mem>>)
      %mul3A_420 = arith.constant 5 : i32
      %mul3A_421 = arith.muli %scan3A_292, %mul3A_420 : i32
      %add3A_422 = arith.constant 2 : i32
      %add3A_423 = arith.addi %mul3A_421, %add3A_422 : i32
      %dma_wait3A_424 = arith.constant 2 : i32
      %dma_wait3A_425 = arith.constant 0 : i32
      %dma_wait3A_426 = arith.constant 0 : i32
      %dma_wait3A_427 = tpu.memref_slice %arg6[%dma_wait3A_424, %dma_wait3A_425, %dma_wait3A_426] : memref<5x128x128xf32, #tpu.memory_space<vmem>> -> memref<1x128x128xf32, #tpu.memory_space<vmem>>
      %dma_wait3A_428 = tpu.memref_squeeze %dma_wait3A_427 : memref<1x128x128xf32, #tpu.memory_space<vmem>> -> memref<128x128xf32, #tpu.memory_space<vmem>>
      %dma_wait3A_429 = arith.constant 0 : i32
      %dma_wait3A_430 = arith.constant 0 : i32
      %dma_wait3A_431 = tpu.memref_slice %arg3[%dma_wait3A_429, %dma_wait3A_430] : memref<1000000x128xf32, #tpu.memory_space<hbm>> -> memref<128x128xf32, #tpu.memory_space<hbm>>
      %dma_wait3A_432 = arith.constant 0 : i32
      %dma_wait3A_433 = arith.constant 0 : i32
      %dma_wait3A_434 = tpu.memref_slice %arg6[%dma_wait3A_424, %dma_wait3A_432, %dma_wait3A_433] : memref<5x128x128xf32, #tpu.memory_space<vmem>> -> memref<1x128x128xf32, #tpu.memory_space<vmem>>
      %dma_wait3A_435 = tpu.memref_squeeze %dma_wait3A_434 : memref<1x128x128xf32, #tpu.memory_space<vmem>> -> memref<128x128xf32, #tpu.memory_space<vmem>>
      %dma_wait3A_436 = arith.constant 0 : i32
      %dma_wait3A_437 = arith.constant 0 : i32
      %dma_wait3A_438 = tpu.memref_slice %arg3[%dma_wait3A_436, %dma_wait3A_437] : memref<1000000x128xf32, #tpu.memory_space<hbm>> -> memref<128x128xf32, #tpu.memory_space<hbm>>
      tpu.wait_dma2 semaphore(%arg9 : memref<!tpu.dma_semaphore, #tpu.memory_space<semaphore_mem>>) src(%dma_wait3A_438 : memref<128x128xf32, #tpu.memory_space<hbm>>) dst(%dma_wait3A_435 : memref<128x128xf32, #tpu.memory_space<vmem>>)
      %add3A_439 = arith.addi %mul3A_2, %add3A_423 : i32
      %mul3A_440 = arith.constant 128 : i32
      %mul3A_441 = arith.muli %add3A_439, %mul3A_440 : i32
      %dma_start3A_442 = arith.constant 2 : i32
      %dma_start3A_443 = arith.constant 0 : i32
      %dma_start3A_444 = arith.constant 0 : i32
      %dma_start3A_445 = tpu.memref_slice %arg6[%dma_start3A_442, %dma_start3A_443, %dma_start3A_444] : memref<5x128x128xf32, #tpu.memory_space<vmem>> -> memref<1x128x128xf32, #tpu.memory_space<vmem>>
      %dma_start3A_446 = tpu.memref_squeeze %dma_start3A_445 : memref<1x128x128xf32, #tpu.memory_space<vmem>> -> memref<128x128xf32, #tpu.memory_space<vmem>>
      %dma_start3A_447 = arith.constant 0 : i32
      %dma_start3A_448 = tpu.memref_slice %arg4[%mul3A_441, %dma_start3A_447] : memref<819200x128xf32, #tpu.memory_space<hbm>> -> memref<128x128xf32, #tpu.memory_space<hbm>>
      %dma_start3A_449 = arith.constant 0 : i32
      %dma_start3A_450 = tpu.memref_slice %arg4[%mul3A_441, %dma_start3A_449] : memref<819200x128xf32, #tpu.memory_space<hbm>> -> memref<128x128xf32, #tpu.memory_space<hbm>>
      %dma_start3A_451 = arith.constant 0 : i32
      %dma_start3A_452 = arith.constant 0 : i32
      %dma_start3A_453 = tpu.memref_slice %arg6[%dma_start3A_442, %dma_start3A_451, %dma_start3A_452] : memref<5x128x128xf32, #tpu.memory_space<vmem>> -> memref<1x128x128xf32, #tpu.memory_space<vmem>>
      %dma_start3A_454 = tpu.memref_squeeze %dma_start3A_453 : memref<1x128x128xf32, #tpu.memory_space<vmem>> -> memref<128x128xf32, #tpu.memory_space<vmem>>
      tpu.enqueue_dma source(%dma_start3A_454 : memref<128x128xf32, #tpu.memory_space<vmem>>) target(%dma_start3A_450 : memref<128x128xf32, #tpu.memory_space<hbm>>) target_semaphore(%arg14 : memref<!tpu.dma_semaphore, #tpu.memory_space<semaphore_mem>>)
      %dma_wait3A_455 = arith.constant 2 : i32
      %dma_wait3A_456 = arith.constant 0 : i32
      %dma_wait3A_457 = arith.constant 0 : i32
      %dma_wait3A_458 = tpu.memref_slice %arg6[%dma_wait3A_455, %dma_wait3A_456, %dma_wait3A_457] : memref<5x128x128xf32, #tpu.memory_space<vmem>> -> memref<1x128x128xf32, #tpu.memory_space<vmem>>
      %dma_wait3A_459 = tpu.memref_squeeze %dma_wait3A_458 : memref<1x128x128xf32, #tpu.memory_space<vmem>> -> memref<128x128xf32, #tpu.memory_space<vmem>>
      %dma_wait3A_460 = arith.constant 0 : i32
      %dma_wait3A_461 = arith.constant 0 : i32
      %dma_wait3A_462 = tpu.memref_slice %arg4[%dma_wait3A_460, %dma_wait3A_461] : memref<819200x128xf32, #tpu.memory_space<hbm>> -> memref<128x128xf32, #tpu.memory_space<hbm>>
      %dma_wait3A_463 = arith.constant 0 : i32
      %dma_wait3A_464 = arith.constant 0 : i32
      %dma_wait3A_465 = tpu.memref_slice %arg4[%dma_wait3A_463, %dma_wait3A_464] : memref<819200x128xf32, #tpu.memory_space<hbm>> -> memref<128x128xf32, #tpu.memory_space<hbm>>
      %dma_wait3A_466 = arith.constant 0 : i32
      %dma_wait3A_467 = arith.constant 0 : i32
      %dma_wait3A_468 = tpu.memref_slice %arg6[%dma_wait3A_455, %dma_wait3A_466, %dma_wait3A_467] : memref<5x128x128xf32, #tpu.memory_space<vmem>> -> memref<1x128x128xf32, #tpu.memory_space<vmem>>
      %dma_wait3A_469 = tpu.memref_squeeze %dma_wait3A_468 : memref<1x128x128xf32, #tpu.memory_space<vmem>> -> memref<128x128xf32, #tpu.memory_space<vmem>>
      tpu.wait_dma2 semaphore(%arg14 : memref<!tpu.dma_semaphore, #tpu.memory_space<semaphore_mem>>) src(%dma_wait3A_469 : memref<128x128xf32, #tpu.memory_space<vmem>>) dst(%dma_wait3A_465 : memref<128x128xf32, #tpu.memory_space<hbm>>)
      %add3A_470 = arith.constant 5 : i32
      %add3A_471 = arith.addi %add3A_423, %add3A_470 : i32
      %mul3A_472 = arith.constant 128 : i32
      %mul3A_473 = arith.muli %add3A_471, %mul3A_472 : i32
      %dma_start3A_474 = arith.constant 2 : i32
      %dma_start3A_475 = arith.constant 0 : i32
      %dma_start3A_476 = arith.constant 0 : i32
      %dma_start3A_477 = tpu.memref_slice %arg6[%dma_start3A_474, %dma_start3A_475, %dma_start3A_476] : memref<5x128x128xf32, #tpu.memory_space<vmem>> -> memref<1x128x128xf32, #tpu.memory_space<vmem>>
      %dma_start3A_478 = tpu.memref_squeeze %dma_start3A_477 : memref<1x128x128xf32, #tpu.memory_space<vmem>> -> memref<128x128xf32, #tpu.memory_space<vmem>>
      %dma_start3A_479 = tpu.memref_slice %arg5[%mul3A_473] : memref<25600xi32, #tpu.memory_space<vmem>> -> memref<128xi32, #tpu.memory_space<vmem>>
      %dma_start3A_480 = arith.constant 0 : i32
      %dma_start3A_481 = arith.constant 0 : i32
      %dma_start3A_482 = tpu.memref_slice %arg3[%dma_start3A_480, %dma_start3A_481] : memref<1000000x128xf32, #tpu.memory_space<hbm>> -> memref<1000000x128xf32, #tpu.memory_space<hbm>>
      tpu.enqueue_indirect_dma source(%dma_start3A_482 : memref<1000000x128xf32, #tpu.memory_space<hbm>>) target(%dma_start3A_478 : memref<128x128xf32, #tpu.memory_space<vmem>>) offsets(%dma_start3A_479 : memref<128xi32, #tpu.memory_space<vmem>>) semaphore(%arg9 : memref<!tpu.dma_semaphore, #tpu.memory_space<semaphore_mem>>)
      %mul3A_483 = arith.constant 5 : i32
      %mul3A_484 = arith.muli %scan3A_292, %mul3A_483 : i32
      %add3A_485 = arith.constant 3 : i32
      %add3A_486 = arith.addi %mul3A_484, %add3A_485 : i32
      %dma_wait3A_487 = arith.constant 3 : i32
      %dma_wait3A_488 = arith.constant 0 : i32
      %dma_wait3A_489 = arith.constant 0 : i32
      %dma_wait3A_490 = tpu.memref_slice %arg6[%dma_wait3A_487, %dma_wait3A_488, %dma_wait3A_489] : memref<5x128x128xf32, #tpu.memory_space<vmem>> -> memref<1x128x128xf32, #tpu.memory_space<vmem>>
      %dma_wait3A_491 = tpu.memref_squeeze %dma_wait3A_490 : memref<1x128x128xf32, #tpu.memory_space<vmem>> -> memref<128x128xf32, #tpu.memory_space<vmem>>
      %dma_wait3A_492 = arith.constant 0 : i32
      %dma_wait3A_493 = arith.constant 0 : i32
      %dma_wait3A_494 = tpu.memref_slice %arg3[%dma_wait3A_492, %dma_wait3A_493] : memref<1000000x128xf32, #tpu.memory_space<hbm>> -> memref<128x128xf32, #tpu.memory_space<hbm>>
      %dma_wait3A_495 = arith.constant 0 : i32
      %dma_wait3A_496 = arith.constant 0 : i32
      %dma_wait3A_497 = tpu.memref_slice %arg6[%dma_wait3A_487, %dma_wait3A_495, %dma_wait3A_496] : memref<5x128x128xf32, #tpu.memory_space<vmem>> -> memref<1x128x128xf32, #tpu.memory_space<vmem>>
      %dma_wait3A_498 = tpu.memref_squeeze %dma_wait3A_497 : memref<1x128x128xf32, #tpu.memory_space<vmem>> -> memref<128x128xf32, #tpu.memory_space<vmem>>
      %dma_wait3A_499 = arith.constant 0 : i32
      %dma_wait3A_500 = arith.constant 0 : i32
      %dma_wait3A_501 = tpu.memref_slice %arg3[%dma_wait3A_499, %dma_wait3A_500] : memref<1000000x128xf32, #tpu.memory_space<hbm>> -> memref<128x128xf32, #tpu.memory_space<hbm>>
      tpu.wait_dma2 semaphore(%arg10 : memref<!tpu.dma_semaphore, #tpu.memory_space<semaphore_mem>>) src(%dma_wait3A_501 : memref<128x128xf32, #tpu.memory_space<hbm>>) dst(%dma_wait3A_498 : memref<128x128xf32, #tpu.memory_space<vmem>>)
      %add3A_502 = arith.addi %mul3A_2, %add3A_486 : i32
      %mul3A_503 = arith.constant 128 : i32
      %mul3A_504 = arith.muli %add3A_502, %mul3A_503 : i32
      %dma_start3A_505 = arith.constant 3 : i32
      %dma_start3A_506 = arith.constant 0 : i32
      %dma_start3A_507 = arith.constant 0 : i32
      %dma_start3A_508 = tpu.memref_slice %arg6[%dma_start3A_505, %dma_start3A_506, %dma_start3A_507] : memref<5x128x128xf32, #tpu.memory_space<vmem>> -> memref<1x128x128xf32, #tpu.memory_space<vmem>>
      %dma_start3A_509 = tpu.memref_squeeze %dma_start3A_508 : memref<1x128x128xf32, #tpu.memory_space<vmem>> -> memref<128x128xf32, #tpu.memory_space<vmem>>
      %dma_start3A_510 = arith.constant 0 : i32
      %dma_start3A_511 = tpu.memref_slice %arg4[%mul3A_504, %dma_start3A_510] : memref<819200x128xf32, #tpu.memory_space<hbm>> -> memref<128x128xf32, #tpu.memory_space<hbm>>
      %dma_start3A_512 = arith.constant 0 : i32
      %dma_start3A_513 = tpu.memref_slice %arg4[%mul3A_504, %dma_start3A_512] : memref<819200x128xf32, #tpu.memory_space<hbm>> -> memref<128x128xf32, #tpu.memory_space<hbm>>
      %dma_start3A_514 = arith.constant 0 : i32
      %dma_start3A_515 = arith.constant 0 : i32
      %dma_start3A_516 = tpu.memref_slice %arg6[%dma_start3A_505, %dma_start3A_514, %dma_start3A_515] : memref<5x128x128xf32, #tpu.memory_space<vmem>> -> memref<1x128x128xf32, #tpu.memory_space<vmem>>
      %dma_start3A_517 = tpu.memref_squeeze %dma_start3A_516 : memref<1x128x128xf32, #tpu.memory_space<vmem>> -> memref<128x128xf32, #tpu.memory_space<vmem>>
      tpu.enqueue_dma source(%dma_start3A_517 : memref<128x128xf32, #tpu.memory_space<vmem>>) target(%dma_start3A_513 : memref<128x128xf32, #tpu.memory_space<hbm>>) target_semaphore(%arg15 : memref<!tpu.dma_semaphore, #tpu.memory_space<semaphore_mem>>)
      %dma_wait3A_518 = arith.constant 3 : i32
      %dma_wait3A_519 = arith.constant 0 : i32
      %dma_wait3A_520 = arith.constant 0 : i32
      %dma_wait3A_521 = tpu.memref_slice %arg6[%dma_wait3A_518, %dma_wait3A_519, %dma_wait3A_520] : memref<5x128x128xf32, #tpu.memory_space<vmem>> -> memref<1x128x128xf32, #tpu.memory_space<vmem>>
      %dma_wait3A_522 = tpu.memref_squeeze %dma_wait3A_521 : memref<1x128x128xf32, #tpu.memory_space<vmem>> -> memref<128x128xf32, #tpu.memory_space<vmem>>
      %dma_wait3A_523 = arith.constant 0 : i32
      %dma_wait3A_524 = arith.constant 0 : i32
      %dma_wait3A_525 = tpu.memref_slice %arg4[%dma_wait3A_523, %dma_wait3A_524] : memref<819200x128xf32, #tpu.memory_space<hbm>> -> memref<128x128xf32, #tpu.memory_space<hbm>>
      %dma_wait3A_526 = arith.constant 0 : i32
      %dma_wait3A_527 = arith.constant 0 : i32
      %dma_wait3A_528 = tpu.memref_slice %arg4[%dma_wait3A_526, %dma_wait3A_527] : memref<819200x128xf32, #tpu.memory_space<hbm>> -> memref<128x128xf32, #tpu.memory_space<hbm>>
      %dma_wait3A_529 = arith.constant 0 : i32
      %dma_wait3A_530 = arith.constant 0 : i32
      %dma_wait3A_531 = tpu.memref_slice %arg6[%dma_wait3A_518, %dma_wait3A_529, %dma_wait3A_530] : memref<5x128x128xf32, #tpu.memory_space<vmem>> -> memref<1x128x128xf32, #tpu.memory_space<vmem>>
      %dma_wait3A_532 = tpu.memref_squeeze %dma_wait3A_531 : memref<1x128x128xf32, #tpu.memory_space<vmem>> -> memref<128x128xf32, #tpu.memory_space<vmem>>
      tpu.wait_dma2 semaphore(%arg15 : memref<!tpu.dma_semaphore, #tpu.memory_space<semaphore_mem>>) src(%dma_wait3A_532 : memref<128x128xf32, #tpu.memory_space<vmem>>) dst(%dma_wait3A_528 : memref<128x128xf32, #tpu.memory_space<hbm>>)
      %add3A_533 = arith.constant 5 : i32
      %add3A_534 = arith.addi %add3A_486, %add3A_533 : i32
      %mul3A_535 = arith.constant 128 : i32
      %mul3A_536 = arith.muli %add3A_534, %mul3A_535 : i32
      %dma_start3A_537 = arith.constant 3 : i32
      %dma_start3A_538 = arith.constant 0 : i32
      %dma_start3A_539 = arith.constant 0 : i32
      %dma_start3A_540 = tpu.memref_slice %arg6[%dma_start3A_537, %dma_start3A_538, %dma_start3A_539] : memref<5x128x128xf32, #tpu.memory_space<vmem>> -> memref<1x128x128xf32, #tpu.memory_space<vmem>>
      %dma_start3A_541 = tpu.memref_squeeze %dma_start3A_540 : memref<1x128x128xf32, #tpu.memory_space<vmem>> -> memref<128x128xf32, #tpu.memory_space<vmem>>
      %dma_start3A_542 = tpu.memref_slice %arg5[%mul3A_536] : memref<25600xi32, #tpu.memory_space<vmem>> -> memref<128xi32, #tpu.memory_space<vmem>>
      %dma_start3A_543 = arith.constant 0 : i32
      %dma_start3A_544 = arith.constant 0 : i32
      %dma_start3A_545 = tpu.memref_slice %arg3[%dma_start3A_543, %dma_start3A_544] : memref<1000000x128xf32, #tpu.memory_space<hbm>> -> memref<1000000x128xf32, #tpu.memory_space<hbm>>
      tpu.enqueue_indirect_dma source(%dma_start3A_545 : memref<1000000x128xf32, #tpu.memory_space<hbm>>) target(%dma_start3A_541 : memref<128x128xf32, #tpu.memory_space<vmem>>) offsets(%dma_start3A_542 : memref<128xi32, #tpu.memory_space<vmem>>) semaphore(%arg10 : memref<!tpu.dma_semaphore, #tpu.memory_space<semaphore_mem>>)
      %mul3A_546 = arith.constant 5 : i32
      %mul3A_547 = arith.muli %scan3A_292, %mul3A_546 : i32
      %add3A_548 = arith.constant 4 : i32
      %add3A_549 = arith.addi %mul3A_547, %add3A_548 : i32
      %dma_wait3A_550 = arith.constant 4 : i32
      %dma_wait3A_551 = arith.constant 0 : i32
      %dma_wait3A_552 = arith.constant 0 : i32
      %dma_wait3A_553 = tpu.memref_slice %arg6[%dma_wait3A_550, %dma_wait3A_551, %dma_wait3A_552] : memref<5x128x128xf32, #tpu.memory_space<vmem>> -> memref<1x128x128xf32, #tpu.memory_space<vmem>>
      %dma_wait3A_554 = tpu.memref_squeeze %dma_wait3A_553 : memref<1x128x128xf32, #tpu.memory_space<vmem>> -> memref<128x128xf32, #tpu.memory_space<vmem>>
      %dma_wait3A_555 = arith.constant 0 : i32
      %dma_wait3A_556 = arith.constant 0 : i32
      %dma_wait3A_557 = tpu.memref_slice %arg3[%dma_wait3A_555, %dma_wait3A_556] : memref<1000000x128xf32, #tpu.memory_space<hbm>> -> memref<128x128xf32, #tpu.memory_space<hbm>>
      %dma_wait3A_558 = arith.constant 0 : i32
      %dma_wait3A_559 = arith.constant 0 : i32
      %dma_wait3A_560 = tpu.memref_slice %arg6[%dma_wait3A_550, %dma_wait3A_558, %dma_wait3A_559] : memref<5x128x128xf32, #tpu.memory_space<vmem>> -> memref<1x128x128xf32, #tpu.memory_space<vmem>>
      %dma_wait3A_561 = tpu.memref_squeeze %dma_wait3A_560 : memref<1x128x128xf32, #tpu.memory_space<vmem>> -> memref<128x128xf32, #tpu.memory_space<vmem>>
      %dma_wait3A_562 = arith.constant 0 : i32
      %dma_wait3A_563 = arith.constant 0 : i32
      %dma_wait3A_564 = tpu.memref_slice %arg3[%dma_wait3A_562, %dma_wait3A_563] : memref<1000000x128xf32, #tpu.memory_space<hbm>> -> memref<128x128xf32, #tpu.memory_space<hbm>>
      tpu.wait_dma2 semaphore(%arg11 : memref<!tpu.dma_semaphore, #tpu.memory_space<semaphore_mem>>) src(%dma_wait3A_564 : memref<128x128xf32, #tpu.memory_space<hbm>>) dst(%dma_wait3A_561 : memref<128x128xf32, #tpu.memory_space<vmem>>)
      %add3A_565 = arith.addi %mul3A_2, %add3A_549 : i32
      %mul3A_566 = arith.constant 128 : i32
      %mul3A_567 = arith.muli %add3A_565, %mul3A_566 : i32
      %dma_start3A_568 = arith.constant 4 : i32
      %dma_start3A_569 = arith.constant 0 : i32
      %dma_start3A_570 = arith.constant 0 : i32
      %dma_start3A_571 = tpu.memref_slice %arg6[%dma_start3A_568, %dma_start3A_569, %dma_start3A_570] : memref<5x128x128xf32, #tpu.memory_space<vmem>> -> memref<1x128x128xf32, #tpu.memory_space<vmem>>
      %dma_start3A_572 = tpu.memref_squeeze %dma_start3A_571 : memref<1x128x128xf32, #tpu.memory_space<vmem>> -> memref<128x128xf32, #tpu.memory_space<vmem>>
      %dma_start3A_573 = arith.constant 0 : i32
      %dma_start3A_574 = tpu.memref_slice %arg4[%mul3A_567, %dma_start3A_573] : memref<819200x128xf32, #tpu.memory_space<hbm>> -> memref<128x128xf32, #tpu.memory_space<hbm>>
      %dma_start3A_575 = arith.constant 0 : i32
      %dma_start3A_576 = tpu.memref_slice %arg4[%mul3A_567, %dma_start3A_575] : memref<819200x128xf32, #tpu.memory_space<hbm>> -> memref<128x128xf32, #tpu.memory_space<hbm>>
      %dma_start3A_577 = arith.constant 0 : i32
      %dma_start3A_578 = arith.constant 0 : i32
      %dma_start3A_579 = tpu.memref_slice %arg6[%dma_start3A_568, %dma_start3A_577, %dma_start3A_578] : memref<5x128x128xf32, #tpu.memory_space<vmem>> -> memref<1x128x128xf32, #tpu.memory_space<vmem>>
      %dma_start3A_580 = tpu.memref_squeeze %dma_start3A_579 : memref<1x128x128xf32, #tpu.memory_space<vmem>> -> memref<128x128xf32, #tpu.memory_space<vmem>>
      tpu.enqueue_dma source(%dma_start3A_580 : memref<128x128xf32, #tpu.memory_space<vmem>>) target(%dma_start3A_576 : memref<128x128xf32, #tpu.memory_space<hbm>>) target_semaphore(%arg16 : memref<!tpu.dma_semaphore, #tpu.memory_space<semaphore_mem>>)
      %dma_wait3A_581 = arith.constant 4 : i32
      %dma_wait3A_582 = arith.constant 0 : i32
      %dma_wait3A_583 = arith.constant 0 : i32
      %dma_wait3A_584 = tpu.memref_slice %arg6[%dma_wait3A_581, %dma_wait3A_582, %dma_wait3A_583] : memref<5x128x128xf32, #tpu.memory_space<vmem>> -> memref<1x128x128xf32, #tpu.memory_space<vmem>>
      %dma_wait3A_585 = tpu.memref_squeeze %dma_wait3A_584 : memref<1x128x128xf32, #tpu.memory_space<vmem>> -> memref<128x128xf32, #tpu.memory_space<vmem>>
      %dma_wait3A_586 = arith.constant 0 : i32
      %dma_wait3A_587 = arith.constant 0 : i32
      %dma_wait3A_588 = tpu.memref_slice %arg4[%dma_wait3A_586, %dma_wait3A_587] : memref<819200x128xf32, #tpu.memory_space<hbm>> -> memref<128x128xf32, #tpu.memory_space<hbm>>
      %dma_wait3A_589 = arith.constant 0 : i32
      %dma_wait3A_590 = arith.constant 0 : i32
      %dma_wait3A_591 = tpu.memref_slice %arg4[%dma_wait3A_589, %dma_wait3A_590] : memref<819200x128xf32, #tpu.memory_space<hbm>> -> memref<128x128xf32, #tpu.memory_space<hbm>>
      %dma_wait3A_592 = arith.constant 0 : i32
      %dma_wait3A_593 = arith.constant 0 : i32
      %dma_wait3A_594 = tpu.memref_slice %arg6[%dma_wait3A_581, %dma_wait3A_592, %dma_wait3A_593] : memref<5x128x128xf32, #tpu.memory_space<vmem>> -> memref<1x128x128xf32, #tpu.memory_space<vmem>>
      %dma_wait3A_595 = tpu.memref_squeeze %dma_wait3A_594 : memref<1x128x128xf32, #tpu.memory_space<vmem>> -> memref<128x128xf32, #tpu.memory_space<vmem>>
      tpu.wait_dma2 semaphore(%arg16 : memref<!tpu.dma_semaphore, #tpu.memory_space<semaphore_mem>>) src(%dma_wait3A_595 : memref<128x128xf32, #tpu.memory_space<vmem>>) dst(%dma_wait3A_591 : memref<128x128xf32, #tpu.memory_space<hbm>>)
      %add3A_596 = arith.constant 5 : i32
      %add3A_597 = arith.addi %add3A_549, %add3A_596 : i32
      %mul3A_598 = arith.constant 128 : i32
      %mul3A_599 = arith.muli %add3A_597, %mul3A_598 : i32
      %dma_start3A_600 = arith.constant 4 : i32
      %dma_start3A_601 = arith.constant 0 : i32
      %dma_start3A_602 = arith.constant 0 : i32
      %dma_start3A_603 = tpu.memref_slice %arg6[%dma_start3A_600, %dma_start3A_601, %dma_start3A_602] : memref<5x128x128xf32, #tpu.memory_space<vmem>> -> memref<1x128x128xf32, #tpu.memory_space<vmem>>
      %dma_start3A_604 = tpu.memref_squeeze %dma_start3A_603 : memref<1x128x128xf32, #tpu.memory_space<vmem>> -> memref<128x128xf32, #tpu.memory_space<vmem>>
      %dma_start3A_605 = tpu.memref_slice %arg5[%mul3A_599] : memref<25600xi32, #tpu.memory_space<vmem>> -> memref<128xi32, #tpu.memory_space<vmem>>
      %dma_start3A_606 = arith.constant 0 : i32
      %dma_start3A_607 = arith.constant 0 : i32
      %dma_start3A_608 = tpu.memref_slice %arg3[%dma_start3A_606, %dma_start3A_607] : memref<1000000x128xf32, #tpu.memory_space<hbm>> -> memref<1000000x128xf32, #tpu.memory_space<hbm>>
      tpu.enqueue_indirect_dma source(%dma_start3A_608 : memref<1000000x128xf32, #tpu.memory_space<hbm>>) target(%dma_start3A_604 : memref<128x128xf32, #tpu.memory_space<vmem>>) offsets(%dma_start3A_605 : memref<128xi32, #tpu.memory_space<vmem>>) semaphore(%arg11 : memref<!tpu.dma_semaphore, #tpu.memory_space<semaphore_mem>>)
      %scan3A_609 = arith.constant 0 : i32
      scf.yield %scan3A_609 : i32
    }
    %scan3A_57 = arith.constant 39 : i32
    %dma_wait3A = arith.constant 0 : i32
    %dma_wait3A_58 = arith.constant 0 : i32
    %dma_wait3A_59 = arith.constant 0 : i32
    %dma_wait3A_60 = tpu.memref_slice %arg6[%dma_wait3A, %dma_wait3A_58, %dma_wait3A_59] : memref<5x128x128xf32, #tpu.memory_space<vmem>> -> memref<1x128x128xf32, #tpu.memory_space<vmem>>
    %dma_wait3A_61 = tpu.memref_squeeze %dma_wait3A_60 : memref<1x128x128xf32, #tpu.memory_space<vmem>> -> memref<128x128xf32, #tpu.memory_space<vmem>>
    %dma_wait3A_62 = arith.constant 0 : i32
    %dma_wait3A_63 = arith.constant 0 : i32
    %dma_wait3A_64 = tpu.memref_slice %arg3[%dma_wait3A_62, %dma_wait3A_63] : memref<1000000x128xf32, #tpu.memory_space<hbm>> -> memref<128x128xf32, #tpu.memory_space<hbm>>
    %dma_wait3A_65 = arith.constant 0 : i32
    %dma_wait3A_66 = arith.constant 0 : i32
    %dma_wait3A_67 = tpu.memref_slice %arg6[%dma_wait3A, %dma_wait3A_65, %dma_wait3A_66] : memref<5x128x128xf32, #tpu.memory_space<vmem>> -> memref<1x128x128xf32, #tpu.memory_space<vmem>>
    %dma_wait3A_68 = tpu.memref_squeeze %dma_wait3A_67 : memref<1x128x128xf32, #tpu.memory_space<vmem>> -> memref<128x128xf32, #tpu.memory_space<vmem>>
    %dma_wait3A_69 = arith.constant 0 : i32
    %dma_wait3A_70 = arith.constant 0 : i32
    %dma_wait3A_71 = tpu.memref_slice %arg3[%dma_wait3A_69, %dma_wait3A_70] : memref<1000000x128xf32, #tpu.memory_space<hbm>> -> memref<128x128xf32, #tpu.memory_space<hbm>>
    tpu.wait_dma2 semaphore(%arg7 : memref<!tpu.dma_semaphore, #tpu.memory_space<semaphore_mem>>) src(%dma_wait3A_71 : memref<128x128xf32, #tpu.memory_space<hbm>>) dst(%dma_wait3A_68 : memref<128x128xf32, #tpu.memory_space<vmem>>)
    %add3A_72 = arith.constant 195 : i32
    %add3A_73 = arith.addi %mul3A_2, %add3A_72 : i32
    %mul3A_74 = arith.constant 128 : i32
    %mul3A_75 = arith.muli %add3A_73, %mul3A_74 : i32
    %dma_start3A_76 = arith.constant 0 : i32
    %dma_start3A_77 = arith.constant 0 : i32
    %dma_start3A_78 = arith.constant 0 : i32
    %dma_start3A_79 = tpu.memref_slice %arg6[%dma_start3A_76, %dma_start3A_77, %dma_start3A_78] : memref<5x128x128xf32, #tpu.memory_space<vmem>> -> memref<1x128x128xf32, #tpu.memory_space<vmem>>
    %dma_start3A_80 = tpu.memref_squeeze %dma_start3A_79 : memref<1x128x128xf32, #tpu.memory_space<vmem>> -> memref<128x128xf32, #tpu.memory_space<vmem>>
    %dma_start3A_81 = arith.constant 0 : i32
    %dma_start3A_82 = tpu.memref_slice %arg4[%mul3A_75, %dma_start3A_81] : memref<819200x128xf32, #tpu.memory_space<hbm>> -> memref<128x128xf32, #tpu.memory_space<hbm>>
    %dma_start3A_83 = arith.constant 0 : i32
    %dma_start3A_84 = tpu.memref_slice %arg4[%mul3A_75, %dma_start3A_83] : memref<819200x128xf32, #tpu.memory_space<hbm>> -> memref<128x128xf32, #tpu.memory_space<hbm>>
    %dma_start3A_85 = arith.constant 0 : i32
    %dma_start3A_86 = arith.constant 0 : i32
    %dma_start3A_87 = tpu.memref_slice %arg6[%dma_start3A_76, %dma_start3A_85, %dma_start3A_86] : memref<5x128x128xf32, #tpu.memory_space<vmem>> -> memref<1x128x128xf32, #tpu.memory_space<vmem>>
    %dma_start3A_88 = tpu.memref_squeeze %dma_start3A_87 : memref<1x128x128xf32, #tpu.memory_space<vmem>> -> memref<128x128xf32, #tpu.memory_space<vmem>>
    tpu.enqueue_dma source(%dma_start3A_88 : memref<128x128xf32, #tpu.memory_space<vmem>>) target(%dma_start3A_84 : memref<128x128xf32, #tpu.memory_space<hbm>>) target_semaphore(%arg12 : memref<!tpu.dma_semaphore, #tpu.memory_space<semaphore_mem>>)
    %dma_wait3A_89 = arith.constant 0 : i32
    %dma_wait3A_90 = arith.constant 0 : i32
    %dma_wait3A_91 = arith.constant 0 : i32
    %dma_wait3A_92 = tpu.memref_slice %arg6[%dma_wait3A_89, %dma_wait3A_90, %dma_wait3A_91] : memref<5x128x128xf32, #tpu.memory_space<vmem>> -> memref<1x128x128xf32, #tpu.memory_space<vmem>>
    %dma_wait3A_93 = tpu.memref_squeeze %dma_wait3A_92 : memref<1x128x128xf32, #tpu.memory_space<vmem>> -> memref<128x128xf32, #tpu.memory_space<vmem>>
    %dma_wait3A_94 = arith.constant 0 : i32
    %dma_wait3A_95 = arith.constant 0 : i32
    %dma_wait3A_96 = tpu.memref_slice %arg4[%dma_wait3A_94, %dma_wait3A_95] : memref<819200x128xf32, #tpu.memory_space<hbm>> -> memref<128x128xf32, #tpu.memory_space<hbm>>
    %dma_wait3A_97 = arith.constant 0 : i32
    %dma_wait3A_98 = arith.constant 0 : i32
    %dma_wait3A_99 = tpu.memref_slice %arg4[%dma_wait3A_97, %dma_wait3A_98] : memref<819200x128xf32, #tpu.memory_space<hbm>> -> memref<128x128xf32, #tpu.memory_space<hbm>>
    %dma_wait3A_100 = arith.constant 0 : i32
    %dma_wait3A_101 = arith.constant 0 : i32
    %dma_wait3A_102 = tpu.memref_slice %arg6[%dma_wait3A_89, %dma_wait3A_100, %dma_wait3A_101] : memref<5x128x128xf32, #tpu.memory_space<vmem>> -> memref<1x128x128xf32, #tpu.memory_space<vmem>>
    %dma_wait3A_103 = tpu.memref_squeeze %dma_wait3A_102 : memref<1x128x128xf32, #tpu.memory_space<vmem>> -> memref<128x128xf32, #tpu.memory_space<vmem>>
    tpu.wait_dma2 semaphore(%arg12 : memref<!tpu.dma_semaphore, #tpu.memory_space<semaphore_mem>>) src(%dma_wait3A_103 : memref<128x128xf32, #tpu.memory_space<vmem>>) dst(%dma_wait3A_99 : memref<128x128xf32, #tpu.memory_space<hbm>>)
    %dma_wait3A_104 = arith.constant 1 : i32
    %dma_wait3A_105 = arith.constant 0 : i32
    %dma_wait3A_106 = arith.constant 0 : i32
    %dma_wait3A_107 = tpu.memref_slice %arg6[%dma_wait3A_104, %dma_wait3A_105, %dma_wait3A_106] : memref<5x128x128xf32, #tpu.memory_space<vmem>> -> memref<1x128x128xf32, #tpu.memory_space<vmem>>
    %dma_wait3A_108 = tpu.memref_squeeze %dma_wait3A_107 : memref<1x128x128xf32, #tpu.memory_space<vmem>> -> memref<128x128xf32, #tpu.memory_space<vmem>>
    %dma_wait3A_109 = arith.constant 0 : i32
    %dma_wait3A_110 = arith.constant 0 : i32
    %dma_wait3A_111 = tpu.memref_slice %arg3[%dma_wait3A_109, %dma_wait3A_110] : memref<1000000x128xf32, #tpu.memory_space<hbm>> -> memref<128x128xf32, #tpu.memory_space<hbm>>
    %dma_wait3A_112 = arith.constant 0 : i32
    %dma_wait3A_113 = arith.constant 0 : i32
    %dma_wait3A_114 = tpu.memref_slice %arg6[%dma_wait3A_104, %dma_wait3A_112, %dma_wait3A_113] : memref<5x128x128xf32, #tpu.memory_space<vmem>> -> memref<1x128x128xf32, #tpu.memory_space<vmem>>
    %dma_wait3A_115 = tpu.memref_squeeze %dma_wait3A_114 : memref<1x128x128xf32, #tpu.memory_space<vmem>> -> memref<128x128xf32, #tpu.memory_space<vmem>>
    %dma_wait3A_116 = arith.constant 0 : i32
    %dma_wait3A_117 = arith.constant 0 : i32
    %dma_wait3A_118 = tpu.memref_slice %arg3[%dma_wait3A_116, %dma_wait3A_117] : memref<1000000x128xf32, #tpu.memory_space<hbm>> -> memref<128x128xf32, #tpu.memory_space<hbm>>
    tpu.wait_dma2 semaphore(%arg8 : memref<!tpu.dma_semaphore, #tpu.memory_space<semaphore_mem>>) src(%dma_wait3A_118 : memref<128x128xf32, #tpu.memory_space<hbm>>) dst(%dma_wait3A_115 : memref<128x128xf32, #tpu.memory_space<vmem>>)
    %add3A_119 = arith.constant 196 : i32
    %add3A_120 = arith.addi %mul3A_2, %add3A_119 : i32
    %mul3A_121 = arith.constant 128 : i32
    %mul3A_122 = arith.muli %add3A_120, %mul3A_121 : i32
    %dma_start3A_123 = arith.constant 1 : i32
    %dma_start3A_124 = arith.constant 0 : i32
    %dma_start3A_125 = arith.constant 0 : i32
    %dma_start3A_126 = tpu.memref_slice %arg6[%dma_start3A_123, %dma_start3A_124, %dma_start3A_125] : memref<5x128x128xf32, #tpu.memory_space<vmem>> -> memref<1x128x128xf32, #tpu.memory_space<vmem>>
    %dma_start3A_127 = tpu.memref_squeeze %dma_start3A_126 : memref<1x128x128xf32, #tpu.memory_space<vmem>> -> memref<128x128xf32, #tpu.memory_space<vmem>>
    %dma_start3A_128 = arith.constant 0 : i32
    %dma_start3A_129 = tpu.memref_slice %arg4[%mul3A_122, %dma_start3A_128] : memref<819200x128xf32, #tpu.memory_space<hbm>> -> memref<128x128xf32, #tpu.memory_space<hbm>>
    %dma_start3A_130 = arith.constant 0 : i32
    %dma_start3A_131 = tpu.memref_slice %arg4[%mul3A_122, %dma_start3A_130] : memref<819200x128xf32, #tpu.memory_space<hbm>> -> memref<128x128xf32, #tpu.memory_space<hbm>>
    %dma_start3A_132 = arith.constant 0 : i32
    %dma_start3A_133 = arith.constant 0 : i32
    %dma_start3A_134 = tpu.memref_slice %arg6[%dma_start3A_123, %dma_start3A_132, %dma_start3A_133] : memref<5x128x128xf32, #tpu.memory_space<vmem>> -> memref<1x128x128xf32, #tpu.memory_space<vmem>>
    %dma_start3A_135 = tpu.memref_squeeze %dma_start3A_134 : memref<1x128x128xf32, #tpu.memory_space<vmem>> -> memref<128x128xf32, #tpu.memory_space<vmem>>
    tpu.enqueue_dma source(%dma_start3A_135 : memref<128x128xf32, #tpu.memory_space<vmem>>) target(%dma_start3A_131 : memref<128x128xf32, #tpu.memory_space<hbm>>) target_semaphore(%arg13 : memref<!tpu.dma_semaphore, #tpu.memory_space<semaphore_mem>>)
    %dma_wait3A_136 = arith.constant 1 : i32
    %dma_wait3A_137 = arith.constant 0 : i32
    %dma_wait3A_138 = arith.constant 0 : i32
    %dma_wait3A_139 = tpu.memref_slice %arg6[%dma_wait3A_136, %dma_wait3A_137, %dma_wait3A_138] : memref<5x128x128xf32, #tpu.memory_space<vmem>> -> memref<1x128x128xf32, #tpu.memory_space<vmem>>
    %dma_wait3A_140 = tpu.memref_squeeze %dma_wait3A_139 : memref<1x128x128xf32, #tpu.memory_space<vmem>> -> memref<128x128xf32, #tpu.memory_space<vmem>>
    %dma_wait3A_141 = arith.constant 0 : i32
    %dma_wait3A_142 = arith.constant 0 : i32
    %dma_wait3A_143 = tpu.memref_slice %arg4[%dma_wait3A_141, %dma_wait3A_142] : memref<819200x128xf32, #tpu.memory_space<hbm>> -> memref<128x128xf32, #tpu.memory_space<hbm>>
    %dma_wait3A_144 = arith.constant 0 : i32
    %dma_wait3A_145 = arith.constant 0 : i32
    %dma_wait3A_146 = tpu.memref_slice %arg4[%dma_wait3A_144, %dma_wait3A_145] : memref<819200x128xf32, #tpu.memory_space<hbm>> -> memref<128x128xf32, #tpu.memory_space<hbm>>
    %dma_wait3A_147 = arith.constant 0 : i32
    %dma_wait3A_148 = arith.constant 0 : i32
    %dma_wait3A_149 = tpu.memref_slice %arg6[%dma_wait3A_136, %dma_wait3A_147, %dma_wait3A_148] : memref<5x128x128xf32, #tpu.memory_space<vmem>> -> memref<1x128x128xf32, #tpu.memory_space<vmem>>
    %dma_wait3A_150 = tpu.memref_squeeze %dma_wait3A_149 : memref<1x128x128xf32, #tpu.memory_space<vmem>> -> memref<128x128xf32, #tpu.memory_space<vmem>>
    tpu.wait_dma2 semaphore(%arg13 : memref<!tpu.dma_semaphore, #tpu.memory_space<semaphore_mem>>) src(%dma_wait3A_150 : memref<128x128xf32, #tpu.memory_space<vmem>>) dst(%dma_wait3A_146 : memref<128x128xf32, #tpu.memory_space<hbm>>)
    %dma_wait3A_151 = arith.constant 2 : i32
    %dma_wait3A_152 = arith.constant 0 : i32
    %dma_wait3A_153 = arith.constant 0 : i32
    %dma_wait3A_154 = tpu.memref_slice %arg6[%dma_wait3A_151, %dma_wait3A_152, %dma_wait3A_153] : memref<5x128x128xf32, #tpu.memory_space<vmem>> -> memref<1x128x128xf32, #tpu.memory_space<vmem>>
    %dma_wait3A_155 = tpu.memref_squeeze %dma_wait3A_154 : memref<1x128x128xf32, #tpu.memory_space<vmem>> -> memref<128x128xf32, #tpu.memory_space<vmem>>
    %dma_wait3A_156 = arith.constant 0 : i32
    %dma_wait3A_157 = arith.constant 0 : i32
    %dma_wait3A_158 = tpu.memref_slice %arg3[%dma_wait3A_156, %dma_wait3A_157] : memref<1000000x128xf32, #tpu.memory_space<hbm>> -> memref<128x128xf32, #tpu.memory_space<hbm>>
    %dma_wait3A_159 = arith.constant 0 : i32
    %dma_wait3A_160 = arith.constant 0 : i32
    %dma_wait3A_161 = tpu.memref_slice %arg6[%dma_wait3A_151, %dma_wait3A_159, %dma_wait3A_160] : memref<5x128x128xf32, #tpu.memory_space<vmem>> -> memref<1x128x128xf32, #tpu.memory_space<vmem>>
    %dma_wait3A_162 = tpu.memref_squeeze %dma_wait3A_161 : memref<1x128x128xf32, #tpu.memory_space<vmem>> -> memref<128x128xf32, #tpu.memory_space<vmem>>
    %dma_wait3A_163 = arith.constant 0 : i32
    %dma_wait3A_164 = arith.constant 0 : i32
    %dma_wait3A_165 = tpu.memref_slice %arg3[%dma_wait3A_163, %dma_wait3A_164] : memref<1000000x128xf32, #tpu.memory_space<hbm>> -> memref<128x128xf32, #tpu.memory_space<hbm>>
    tpu.wait_dma2 semaphore(%arg9 : memref<!tpu.dma_semaphore, #tpu.memory_space<semaphore_mem>>) src(%dma_wait3A_165 : memref<128x128xf32, #tpu.memory_space<hbm>>) dst(%dma_wait3A_162 : memref<128x128xf32, #tpu.memory_space<vmem>>)
    %add3A_166 = arith.constant 197 : i32
    %add3A_167 = arith.addi %mul3A_2, %add3A_166 : i32
    %mul3A_168 = arith.constant 128 : i32
    %mul3A_169 = arith.muli %add3A_167, %mul3A_168 : i32
    %dma_start3A_170 = arith.constant 2 : i32
    %dma_start3A_171 = arith.constant 0 : i32
    %dma_start3A_172 = arith.constant 0 : i32
    %dma_start3A_173 = tpu.memref_slice %arg6[%dma_start3A_170, %dma_start3A_171, %dma_start3A_172] : memref<5x128x128xf32, #tpu.memory_space<vmem>> -> memref<1x128x128xf32, #tpu.memory_space<vmem>>
    %dma_start3A_174 = tpu.memref_squeeze %dma_start3A_173 : memref<1x128x128xf32, #tpu.memory_space<vmem>> -> memref<128x128xf32, #tpu.memory_space<vmem>>
    %dma_start3A_175 = arith.constant 0 : i32
    %dma_start3A_176 = tpu.memref_slice %arg4[%mul3A_169, %dma_start3A_175] : memref<819200x128xf32, #tpu.memory_space<hbm>> -> memref<128x128xf32, #tpu.memory_space<hbm>>
    %dma_start3A_177 = arith.constant 0 : i32
    %dma_start3A_178 = tpu.memref_slice %arg4[%mul3A_169, %dma_start3A_177] : memref<819200x128xf32, #tpu.memory_space<hbm>> -> memref<128x128xf32, #tpu.memory_space<hbm>>
    %dma_start3A_179 = arith.constant 0 : i32
    %dma_start3A_180 = arith.constant 0 : i32
    %dma_start3A_181 = tpu.memref_slice %arg6[%dma_start3A_170, %dma_start3A_179, %dma_start3A_180] : memref<5x128x128xf32, #tpu.memory_space<vmem>> -> memref<1x128x128xf32, #tpu.memory_space<vmem>>
    %dma_start3A_182 = tpu.memref_squeeze %dma_start3A_181 : memref<1x128x128xf32, #tpu.memory_space<vmem>> -> memref<128x128xf32, #tpu.memory_space<vmem>>
    tpu.enqueue_dma source(%dma_start3A_182 : memref<128x128xf32, #tpu.memory_space<vmem>>) target(%dma_start3A_178 : memref<128x128xf32, #tpu.memory_space<hbm>>) target_semaphore(%arg14 : memref<!tpu.dma_semaphore, #tpu.memory_space<semaphore_mem>>)
    %dma_wait3A_183 = arith.constant 2 : i32
    %dma_wait3A_184 = arith.constant 0 : i32
    %dma_wait3A_185 = arith.constant 0 : i32
    %dma_wait3A_186 = tpu.memref_slice %arg6[%dma_wait3A_183, %dma_wait3A_184, %dma_wait3A_185] : memref<5x128x128xf32, #tpu.memory_space<vmem>> -> memref<1x128x128xf32, #tpu.memory_space<vmem>>
    %dma_wait3A_187 = tpu.memref_squeeze %dma_wait3A_186 : memref<1x128x128xf32, #tpu.memory_space<vmem>> -> memref<128x128xf32, #tpu.memory_space<vmem>>
    %dma_wait3A_188 = arith.constant 0 : i32
    %dma_wait3A_189 = arith.constant 0 : i32
    %dma_wait3A_190 = tpu.memref_slice %arg4[%dma_wait3A_188, %dma_wait3A_189] : memref<819200x128xf32, #tpu.memory_space<hbm>> -> memref<128x128xf32, #tpu.memory_space<hbm>>
    %dma_wait3A_191 = arith.constant 0 : i32
    %dma_wait3A_192 = arith.constant 0 : i32
    %dma_wait3A_193 = tpu.memref_slice %arg4[%dma_wait3A_191, %dma_wait3A_192] : memref<819200x128xf32, #tpu.memory_space<hbm>> -> memref<128x128xf32, #tpu.memory_space<hbm>>
    %dma_wait3A_194 = arith.constant 0 : i32
    %dma_wait3A_195 = arith.constant 0 : i32
    %dma_wait3A_196 = tpu.memref_slice %arg6[%dma_wait3A_183, %dma_wait3A_194, %dma_wait3A_195] : memref<5x128x128xf32, #tpu.memory_space<vmem>> -> memref<1x128x128xf32, #tpu.memory_space<vmem>>
    %dma_wait3A_197 = tpu.memref_squeeze %dma_wait3A_196 : memref<1x128x128xf32, #tpu.memory_space<vmem>> -> memref<128x128xf32, #tpu.memory_space<vmem>>
    tpu.wait_dma2 semaphore(%arg14 : memref<!tpu.dma_semaphore, #tpu.memory_space<semaphore_mem>>) src(%dma_wait3A_197 : memref<128x128xf32, #tpu.memory_space<vmem>>) dst(%dma_wait3A_193 : memref<128x128xf32, #tpu.memory_space<hbm>>)
    %dma_wait3A_198 = arith.constant 3 : i32
    %dma_wait3A_199 = arith.constant 0 : i32
    %dma_wait3A_200 = arith.constant 0 : i32
    %dma_wait3A_201 = tpu.memref_slice %arg6[%dma_wait3A_198, %dma_wait3A_199, %dma_wait3A_200] : memref<5x128x128xf32, #tpu.memory_space<vmem>> -> memref<1x128x128xf32, #tpu.memory_space<vmem>>
    %dma_wait3A_202 = tpu.memref_squeeze %dma_wait3A_201 : memref<1x128x128xf32, #tpu.memory_space<vmem>> -> memref<128x128xf32, #tpu.memory_space<vmem>>
    %dma_wait3A_203 = arith.constant 0 : i32
    %dma_wait3A_204 = arith.constant 0 : i32
    %dma_wait3A_205 = tpu.memref_slice %arg3[%dma_wait3A_203, %dma_wait3A_204] : memref<1000000x128xf32, #tpu.memory_space<hbm>> -> memref<128x128xf32, #tpu.memory_space<hbm>>
    %dma_wait3A_206 = arith.constant 0 : i32
    %dma_wait3A_207 = arith.constant 0 : i32
    %dma_wait3A_208 = tpu.memref_slice %arg6[%dma_wait3A_198, %dma_wait3A_206, %dma_wait3A_207] : memref<5x128x128xf32, #tpu.memory_space<vmem>> -> memref<1x128x128xf32, #tpu.memory_space<vmem>>
    %dma_wait3A_209 = tpu.memref_squeeze %dma_wait3A_208 : memref<1x128x128xf32, #tpu.memory_space<vmem>> -> memref<128x128xf32, #tpu.memory_space<vmem>>
    %dma_wait3A_210 = arith.constant 0 : i32
    %dma_wait3A_211 = arith.constant 0 : i32
    %dma_wait3A_212 = tpu.memref_slice %arg3[%dma_wait3A_210, %dma_wait3A_211] : memref<1000000x128xf32, #tpu.memory_space<hbm>> -> memref<128x128xf32, #tpu.memory_space<hbm>>
    tpu.wait_dma2 semaphore(%arg10 : memref<!tpu.dma_semaphore, #tpu.memory_space<semaphore_mem>>) src(%dma_wait3A_212 : memref<128x128xf32, #tpu.memory_space<hbm>>) dst(%dma_wait3A_209 : memref<128x128xf32, #tpu.memory_space<vmem>>)
    %add3A_213 = arith.constant 198 : i32
    %add3A_214 = arith.addi %mul3A_2, %add3A_213 : i32
    %mul3A_215 = arith.constant 128 : i32
    %mul3A_216 = arith.muli %add3A_214, %mul3A_215 : i32
    %dma_start3A_217 = arith.constant 3 : i32
    %dma_start3A_218 = arith.constant 0 : i32
    %dma_start3A_219 = arith.constant 0 : i32
    %dma_start3A_220 = tpu.memref_slice %arg6[%dma_start3A_217, %dma_start3A_218, %dma_start3A_219] : memref<5x128x128xf32, #tpu.memory_space<vmem>> -> memref<1x128x128xf32, #tpu.memory_space<vmem>>
    %dma_start3A_221 = tpu.memref_squeeze %dma_start3A_220 : memref<1x128x128xf32, #tpu.memory_space<vmem>> -> memref<128x128xf32, #tpu.memory_space<vmem>>
    %dma_start3A_222 = arith.constant 0 : i32
    %dma_start3A_223 = tpu.memref_slice %arg4[%mul3A_216, %dma_start3A_222] : memref<819200x128xf32, #tpu.memory_space<hbm>> -> memref<128x128xf32, #tpu.memory_space<hbm>>
    %dma_start3A_224 = arith.constant 0 : i32
    %dma_start3A_225 = tpu.memref_slice %arg4[%mul3A_216, %dma_start3A_224] : memref<819200x128xf32, #tpu.memory_space<hbm>> -> memref<128x128xf32, #tpu.memory_space<hbm>>
    %dma_start3A_226 = arith.constant 0 : i32
    %dma_start3A_227 = arith.constant 0 : i32
    %dma_start3A_228 = tpu.memref_slice %arg6[%dma_start3A_217, %dma_start3A_226, %dma_start3A_227] : memref<5x128x128xf32, #tpu.memory_space<vmem>> -> memref<1x128x128xf32, #tpu.memory_space<vmem>>
    %dma_start3A_229 = tpu.memref_squeeze %dma_start3A_228 : memref<1x128x128xf32, #tpu.memory_space<vmem>> -> memref<128x128xf32, #tpu.memory_space<vmem>>
    tpu.enqueue_dma source(%dma_start3A_229 : memref<128x128xf32, #tpu.memory_space<vmem>>) target(%dma_start3A_225 : memref<128x128xf32, #tpu.memory_space<hbm>>) target_semaphore(%arg15 : memref<!tpu.dma_semaphore, #tpu.memory_space<semaphore_mem>>)
    %dma_wait3A_230 = arith.constant 3 : i32
    %dma_wait3A_231 = arith.constant 0 : i32
    %dma_wait3A_232 = arith.constant 0 : i32
    %dma_wait3A_233 = tpu.memref_slice %arg6[%dma_wait3A_230, %dma_wait3A_231, %dma_wait3A_232] : memref<5x128x128xf32, #tpu.memory_space<vmem>> -> memref<1x128x128xf32, #tpu.memory_space<vmem>>
    %dma_wait3A_234 = tpu.memref_squeeze %dma_wait3A_233 : memref<1x128x128xf32, #tpu.memory_space<vmem>> -> memref<128x128xf32, #tpu.memory_space<vmem>>
    %dma_wait3A_235 = arith.constant 0 : i32
    %dma_wait3A_236 = arith.constant 0 : i32
    %dma_wait3A_237 = tpu.memref_slice %arg4[%dma_wait3A_235, %dma_wait3A_236] : memref<819200x128xf32, #tpu.memory_space<hbm>> -> memref<128x128xf32, #tpu.memory_space<hbm>>
    %dma_wait3A_238 = arith.constant 0 : i32
    %dma_wait3A_239 = arith.constant 0 : i32
    %dma_wait3A_240 = tpu.memref_slice %arg4[%dma_wait3A_238, %dma_wait3A_239] : memref<819200x128xf32, #tpu.memory_space<hbm>> -> memref<128x128xf32, #tpu.memory_space<hbm>>
    %dma_wait3A_241 = arith.constant 0 : i32
    %dma_wait3A_242 = arith.constant 0 : i32
    %dma_wait3A_243 = tpu.memref_slice %arg6[%dma_wait3A_230, %dma_wait3A_241, %dma_wait3A_242] : memref<5x128x128xf32, #tpu.memory_space<vmem>> -> memref<1x128x128xf32, #tpu.memory_space<vmem>>
    %dma_wait3A_244 = tpu.memref_squeeze %dma_wait3A_243 : memref<1x128x128xf32, #tpu.memory_space<vmem>> -> memref<128x128xf32, #tpu.memory_space<vmem>>
    tpu.wait_dma2 semaphore(%arg15 : memref<!tpu.dma_semaphore, #tpu.memory_space<semaphore_mem>>) src(%dma_wait3A_244 : memref<128x128xf32, #tpu.memory_space<vmem>>) dst(%dma_wait3A_240 : memref<128x128xf32, #tpu.memory_space<hbm>>)
    %dma_wait3A_245 = arith.constant 4 : i32
    %dma_wait3A_246 = arith.constant 0 : i32
    %dma_wait3A_247 = arith.constant 0 : i32
    %dma_wait3A_248 = tpu.memref_slice %arg6[%dma_wait3A_245, %dma_wait3A_246, %dma_wait3A_247] : memref<5x128x128xf32, #tpu.memory_space<vmem>> -> memref<1x128x128xf32, #tpu.memory_space<vmem>>
    %dma_wait3A_249 = tpu.memref_squeeze %dma_wait3A_248 : memref<1x128x128xf32, #tpu.memory_space<vmem>> -> memref<128x128xf32, #tpu.memory_space<vmem>>
    %dma_wait3A_250 = arith.constant 0 : i32
    %dma_wait3A_251 = arith.constant 0 : i32
    %dma_wait3A_252 = tpu.memref_slice %arg3[%dma_wait3A_250, %dma_wait3A_251] : memref<1000000x128xf32, #tpu.memory_space<hbm>> -> memref<128x128xf32, #tpu.memory_space<hbm>>
    %dma_wait3A_253 = arith.constant 0 : i32
    %dma_wait3A_254 = arith.constant 0 : i32
    %dma_wait3A_255 = tpu.memref_slice %arg6[%dma_wait3A_245, %dma_wait3A_253, %dma_wait3A_254] : memref<5x128x128xf32, #tpu.memory_space<vmem>> -> memref<1x128x128xf32, #tpu.memory_space<vmem>>
    %dma_wait3A_256 = tpu.memref_squeeze %dma_wait3A_255 : memref<1x128x128xf32, #tpu.memory_space<vmem>> -> memref<128x128xf32, #tpu.memory_space<vmem>>
    %dma_wait3A_257 = arith.constant 0 : i32
    %dma_wait3A_258 = arith.constant 0 : i32
    %dma_wait3A_259 = tpu.memref_slice %arg3[%dma_wait3A_257, %dma_wait3A_258] : memref<1000000x128xf32, #tpu.memory_space<hbm>> -> memref<128x128xf32, #tpu.memory_space<hbm>>
    tpu.wait_dma2 semaphore(%arg11 : memref<!tpu.dma_semaphore, #tpu.memory_space<semaphore_mem>>) src(%dma_wait3A_259 : memref<128x128xf32, #tpu.memory_space<hbm>>) dst(%dma_wait3A_256 : memref<128x128xf32, #tpu.memory_space<vmem>>)
    %add3A_260 = arith.constant 199 : i32
    %add3A_261 = arith.addi %mul3A_2, %add3A_260 : i32
    %mul3A_262 = arith.constant 128 : i32
    %mul3A_263 = arith.muli %add3A_261, %mul3A_262 : i32
    %dma_start3A_264 = arith.constant 4 : i32
    %dma_start3A_265 = arith.constant 0 : i32
    %dma_start3A_266 = arith.constant 0 : i32
    %dma_start3A_267 = tpu.memref_slice %arg6[%dma_start3A_264, %dma_start3A_265, %dma_start3A_266] : memref<5x128x128xf32, #tpu.memory_space<vmem>> -> memref<1x128x128xf32, #tpu.memory_space<vmem>>
    %dma_start3A_268 = tpu.memref_squeeze %dma_start3A_267 : memref<1x128x128xf32, #tpu.memory_space<vmem>> -> memref<128x128xf32, #tpu.memory_space<vmem>>
    %dma_start3A_269 = arith.constant 0 : i32
    %dma_start3A_270 = tpu.memref_slice %arg4[%mul3A_263, %dma_start3A_269] : memref<819200x128xf32, #tpu.memory_space<hbm>> -> memref<128x128xf32, #tpu.memory_space<hbm>>
    %dma_start3A_271 = arith.constant 0 : i32
    %dma_start3A_272 = tpu.memref_slice %arg4[%mul3A_263, %dma_start3A_271] : memref<819200x128xf32, #tpu.memory_space<hbm>> -> memref<128x128xf32, #tpu.memory_space<hbm>>
    %dma_start3A_273 = arith.constant 0 : i32
    %dma_start3A_274 = arith.constant 0 : i32
    %dma_start3A_275 = tpu.memref_slice %arg6[%dma_start3A_264, %dma_start3A_273, %dma_start3A_274] : memref<5x128x128xf32, #tpu.memory_space<vmem>> -> memref<1x128x128xf32, #tpu.memory_space<vmem>>
    %dma_start3A_276 = tpu.memref_squeeze %dma_start3A_275 : memref<1x128x128xf32, #tpu.memory_space<vmem>> -> memref<128x128xf32, #tpu.memory_space<vmem>>
    tpu.enqueue_dma source(%dma_start3A_276 : memref<128x128xf32, #tpu.memory_space<vmem>>) target(%dma_start3A_272 : memref<128x128xf32, #tpu.memory_space<hbm>>) target_semaphore(%arg16 : memref<!tpu.dma_semaphore, #tpu.memory_space<semaphore_mem>>)
    %dma_wait3A_277 = arith.constant 4 : i32
    %dma_wait3A_278 = arith.constant 0 : i32
    %dma_wait3A_279 = arith.constant 0 : i32
    %dma_wait3A_280 = tpu.memref_slice %arg6[%dma_wait3A_277, %dma_wait3A_278, %dma_wait3A_279] : memref<5x128x128xf32, #tpu.memory_space<vmem>> -> memref<1x128x128xf32, #tpu.memory_space<vmem>>
    %dma_wait3A_281 = tpu.memref_squeeze %dma_wait3A_280 : memref<1x128x128xf32, #tpu.memory_space<vmem>> -> memref<128x128xf32, #tpu.memory_space<vmem>>
    %dma_wait3A_282 = arith.constant 0 : i32
    %dma_wait3A_283 = arith.constant 0 : i32
    %dma_wait3A_284 = tpu.memref_slice %arg4[%dma_wait3A_282, %dma_wait3A_283] : memref<819200x128xf32, #tpu.memory_space<hbm>> -> memref<128x128xf32, #tpu.memory_space<hbm>>
    %dma_wait3A_285 = arith.constant 0 : i32
    %dma_wait3A_286 = arith.constant 0 : i32
    %dma_wait3A_287 = tpu.memref_slice %arg4[%dma_wait3A_285, %dma_wait3A_286] : memref<819200x128xf32, #tpu.memory_space<hbm>> -> memref<128x128xf32, #tpu.memory_space<hbm>>
    %dma_wait3A_288 = arith.constant 0 : i32
    %dma_wait3A_289 = arith.constant 0 : i32
    %dma_wait3A_290 = tpu.memref_slice %arg6[%dma_wait3A_277, %dma_wait3A_288, %dma_wait3A_289] : memref<5x128x128xf32, #tpu.memory_space<vmem>> -> memref<1x128x128xf32, #tpu.memory_space<vmem>>
    %dma_wait3A_291 = tpu.memref_squeeze %dma_wait3A_290 : memref<1x128x128xf32, #tpu.memory_space<vmem>> -> memref<128x128xf32, #tpu.memory_space<vmem>>
    tpu.wait_dma2 semaphore(%arg16 : memref<!tpu.dma_semaphore, #tpu.memory_space<semaphore_mem>>) src(%dma_wait3A_291 : memref<128x128xf32, #tpu.memory_space<vmem>>) dst(%dma_wait3A_287 : memref<128x128xf32, #tpu.memory_space<hbm>>)
    return
  }
}

</mosaic_0001>

<sc_bundles>
// kernel: kernel.3.cloned.1.call-start
scs
__scs_entry_jumppad:
0x0: {  	(pc) =	sbr.rel $0x88, $3  }
0x1: {  	(tag) =	ssettag $0x0;
	lr =	simm.s32 $0x1  }
0x2: {  	[smem:$0x3F9F] =	sst lr;
	_ =	strace $0xD0000000  }
0x3: {  	_ = 	snop  }
0x4: {  	_ = 	snop  }
0x5: {  	_ = 	snop  }
0x6: {  	_ = 	snop  }
0x7: {  	_ = 	snop  }
__scs_overlays_trampoline_lowered:
0x8: {  	[smem:$0x3FAE] =	sst s0  }
0x9: {  	[smem:$0x3FAF] =	sst s1  }
0xa: {  	[smem:$0x3FB0] =	sst s2  }
0xb: {  	[smem:$0x3FB1] =	sst s3  }
0xc: {  	[smem:$0x3FB2] =	sst s4  }
0xd: {  	[smem:$0x3FB3] =	sst s5  }
0xe: {  	[smem:$0x3FB4] =	sst s6  }
0xf: {  	[smem:$0x3FB5] =	sst s7  }
0x10: {  	[smem:$0x3FB6] =	sst s8  }
0x11: {  	[smem:$0x3FB7] =	sst s9;
	s0 =	simm.s32 @!p0 $0x0  }
0x12: {  	s1 =	sld [smem:$0x3F9D];
	s0 =	simm.s32 @p0 $0x1  }
0x13: {  	[smem:$0x3FB8] =	sst s0;
	s0 =	simm.s32 @!p1 $0x0  }
0x14: {  	s2 =	sld [smem:$0x3F9C];
	s0 =	simm.s32 @p1 $0x1  }
0x15: {  	[smem:$0x3FB9] =	sst s0;
	s0 =	simm.s32 @!p2 $0x0  }
0x16: {  	s3 =	sld [smem:$0x3FDB];
	s0 =	simm.s32 @p2 $0x1  }
0x17: {  	s4 =	simm.s32 $0x1BF5;
	[smem:$0x3FBB] =	sst s0  }
0x18: {  	s0 =	sld [smem:$0x3F9E];
	_ =	swait.ge [sflag:s4], $0x0  }
0x19: {  	s7 =	sld [smem:$0x3F9F]  }
0x1a: {  	s8 =	sadd.s32 $0xFFFFE003, lr  }
0x1b: {  	s9 =	sadd.s32 $0xFFFFFEF7, lr;
	s5 =	simm.s32 $0xFFFFFFFF;
	p2 =	slt.u32 s8, $0xFFFFF086  }
0x1c: {  	p1 =	slt.u32 s9, $0xF7A;
	s5 =	simm.s32 @!p2 $0x0  }
0x1d: {  	s5 =	simm.s32 @p1 $0x1;
	p0 =	seq.s32 s7, s2  }
0x1e: {  	s7 =	smul.u32 @!p0 $0xF7A, s2;
	p2 =	seq.s32 @!p0 s5, $0x0  }
0x1f: {  	s9 =	smul.u32 $0xF7A, s1;
	s8 =	simm.s32 @!p0 $0x1BF5;
	p2 =	por !p2, p0  }
0x20: {  	[sflag:s8] =	ssyncset.s32 @!p0 $0xFFFFF086;
	s6 =	sadd.s32 @!p0 s3, s7;
	s7 =	simm.s32 @!p0 $0x108  }
0x21: {  	s3 =	sadd.s32 s3, s9;
	s6 =	sadd.s32 @!p0 $0x88, s6;
	s7 =	simm.s32 @p2 $0x1082  }
0x22: {  	[simem:s7], [sflag:s8] =	dma.local @!p0 [hbm:s6], $0xF7A  }
0x23: {  	s9 =	sor.u32 $0xD0000000, s2;
	s6 =	simm.s32 $0x108;
	_ =	swait.ge @!p0 [sflag:s8], $0x0  }
0x24: {  	s3 =	sadd.s32 $0x88, s3;
	s6 =	simm.s32 @!p1 $0x1082;
	[sflag:s4] =	ssyncset.s32 $0xFFFFF086  }
0x25: {  	[simem:s6], [sflag:s4] =	dma.local [hbm:s3], $0xF7A  }
0x26: {  	[smem:$0x3F9F] =	sst s1;
	(tag) =	ssettag s2;
	_ =	strace s9  }
0x27: {  	s1 =	sld [smem:$0x3FAF]  }
0x28: {  	s2 =	sld [smem:$0x3FB0]  }
0x29: {  	s4 =	sld [smem:$0x3FB2]  }
0x2a: {  	p0 =	seq.s32 s5, $0x0;
	s5 =	sld [smem:$0x3FB3]  }
0x2b: {  	s6 =	sld [smem:$0x3FB4]  }
0x2c: {  	s7 =	sld [smem:$0x3FB5]  }
0x2d: {  	s3 =	simm.s32 $0x108;
	s8 =	sld [smem:$0x3FB6]  }
0x2e: {  	s3 =	simm.s32 @!p0 $0x1082;
	s9 =	sld [smem:$0x3FB7]  }
0x2f: {  	lr =	sadd.s32 s0, s3;
	s0 =	sld [smem:$0x3FAE]  }
0x30: {  	s3 =	sld [smem:$0x3FB1]  }
0x31: {  	[smem:$0x3FBA] =	sst s10  }
0x32: {  	s10 =	sld [smem:$0x3FB8];
	_ =	sdelay $0x3  }
0x33: {  	p0 =	seq.s32 s10, $0x1;
	s10 =	sld [smem:$0x3FBA];
	_ =	sdelay $0x3  }
0x34: {  	[smem:$0x3FBA] =	sst s10  }
0x35: {  	s10 =	sld [smem:$0x3FB9];
	_ =	sdelay $0x3  }
0x36: {  	p1 =	seq.s32 s10, $0x1;
	s10 =	sld [smem:$0x3FBA];
	_ =	sdelay $0x3  }
0x37: {  	[smem:$0x3FBA] =	sst s10  }
0x38: {  	s10 =	sld [smem:$0x3FBB]  }
0x39: {  	_ = 	snop;
	(pc) =	sbr.ind lr, $3  }
0x3a: {  	_ = 	snop  }
0x3b: {  	_ = 	snop  }
0x3c: {  	p2 =	seq.s32 s10, $0x1;
	s10 =	sld [smem:$0x3FBA]  }
0x3d: {  	_ =	shalt  }
0x3e: {  	_ =	shalt  }
0x3f: {  	_ =	shalt  }
0x40: {  	_ =	shalt  }
0x41: {  	_ =	shalt  }
0x42: {  	_ =	shalt  }
0x43: {  	_ =	shalt  }
0x44: {  	_ =	shalt  }
0x45: {  	_ =	shalt  }
0x46: {  	_ =	shalt  }
0x47: {  	_ =	shalt  }
0x48: {  	_ =	shalt  }
0x49: {  	_ =	shalt  }
0x4a: {  	_ =	shalt  }
0x4b: {  	_ =	shalt  }
0x4c: {  	_ =	shalt  }
0x4d: {  	_ =	shalt  }
0x4e: {  	_ =	shalt  }
0x4f: {  	_ =	shalt  }
0x50: {  	_ =	shalt  }
0x51: {  	_ =	shalt  }
0x52: {  	_ =	shalt  }
0x53: {  	_ =	shalt  }
0x54: {  	_ =	shalt  }
0x55: {  	_ =	shalt  }
0x56: {  	_ =	shalt  }
0x57: {  	_ =	shalt  }
0x58: {  	_ =	shalt  }
0x59: {  	_ =	shalt  }
0x5a: {  	_ =	shalt  }
0x5b: {  	_ =	shalt  }
0x5c: {  	_ =	shalt  }
0x5d: {  	_ =	shalt  }
0x5e: {  	_ =	shalt  }
0x5f: {  	_ =	shalt  }
0x60: {  	_ =	shalt  }
0x61: {  	_ =	shalt  }
0x62: {  	_ =	shalt  }
0x63: {  	_ =	shalt  }
0x64: {  	_ =	shalt  }
0x65: {  	_ =	shalt  }
0x66: {  	_ =	shalt  }
0x67: {  	_ =	shalt  }
0x68: {  	_ =	shalt  }
0x69: {  	_ =	shalt  }
0x6a: {  	_ =	shalt  }
0x6b: {  	_ =	shalt  }
0x6c: {  	_ =	shalt  }
0x6d: {  	_ =	shalt  }
0x6e: {  	_ =	shalt  }
0x6f: {  	_ =	shalt  }
0x70: {  	_ =	shalt  }
0x71: {  	_ =	shalt  }
0x72: {  	_ =	shalt  }
0x73: {  	_ =	shalt  }
0x74: {  	_ =	shalt  }
0x75: {  	_ =	shalt  }
0x76: {  	_ =	shalt  }
0x77: {  	_ =	shalt  }
0x78: {  	_ =	shalt  }
0x79: {  	_ =	shalt  }
0x7a: {  	_ =	shalt  }
0x7b: {  	_ =	shalt  }
0x7c: {  	_ =	shalt  }
0x7d: {  	_ =	shalt  }
0x7e: {  	_ =	shalt  }
0x7f: {  	_ =	shalt  }
0x80: {  	_ =	shalt  }
0x81: {  	_ =	shalt  }
0x82: {  	_ =	shalt  }
0x83: {  	_ =	shalt  }
0x84: {  	_ =	shalt  }
0x85: {  	_ =	shalt  }
0x86: {  	_ =	shalt  }
0x87: {  	_ =	shalt  }
.Lfunc_end0:
.L_simem_size_0:
called_computation.1_lowered:
.L_overlay_start_0:
0x88: {  	s2 =	sld [smem:$0x3FD9]  }
0x89: {  	s3 =	sld [smem:$0x3FFE];
	_ =	sdelay $0x1  }
0x8a: {  	s1 =	srdreg.scid  }
0x8b: {  	s0 =	sand.u32 $0x1, s1  }
0x8c: {  	s17 =	sshll.u32 s0, $0xA;
	s2 =	sadd.s32 s3, s2  }
0x8d: {  	s2 =	sadd.s32 s2, s17  }
0x8e: {  	[smem:$0x3FC6] =	sst s2  }
0x8f: {  	_ = 	snop  }
0x90: {  	s2 =	sld [smem:$0x3FD0];
	(tm) =	ssettm $0x1  }
0x91: {  	s18 =	sld [smem:$0x3FFB];
	_ =	sdelay $0x3  }
0x92: {  	_ =	strace s18  }
0x93: {  	s3 =	sld [smem:$0x3FFC];
	_ =	sdelay $0x3  }
0x94: {  	_ =	strace s3  }
0x95: {  	s3 =	sld [smem:$0x3FFD];
	_ =	sdelay $0x3  }
0x96: {  	_ =	strace s3  }
0x97: {  	_ =	strace $0x8FFFFFFF  }
0x98: {  	s19 =	sld [smem:$0x3FDB];
	_ =	sdelay $0x1  }
0x99: {  	s4 =	simm.s32 $_scs_section_size  }
0x9a: {  	s5 =	simm.s32 $_size__tile_overlayer_lowered;
	s6 =	simm.s32 $_tile_overlayer_lowered  }
0x9b: {  	s22 =	simm.s32 $0x1BFF;
	s21 =	sshll.u32 s6, $0x1;
	s3 =	sadd.s32 s4, s19  }
0x9c: {  	s7 =	simm.s32 $0x0;
	s20 =	sshll.u32 s5, $0x1;
	s5 =	sadd.s32 s21, s3  }
0x9d: {  	[timem:s7], [sflag:s22] =	dma.local [hbm:s5], s20  }
0x9e: {  	_ =	swait.ge [sflag:s22], s20  }
0x9f: {  	s4 =	ssub.s32 $0x0, s20;
	[sflag:s22] =	ssyncset.done $0x0  }
0xa0: {  	[sflag:s22] =	ssyncadd.s32 s4;
	_ =	sdelay $0x1  }
0xa1: {  	s23 =	simm.s32 $0x1B8B  }
0xa2: {  	_ =	swait.ge [sflag:s23], $0x1  }
0xa3: {  	[sflag:s23] =	ssyncset.done $0x0  }
0xa4: {  	s25 =	simm.s32 $0x1B8E;
	s24 =	sld [smem:$0x3FFE];
	[sflag:s23] =	ssyncadd.s32 $0xFFFFFFFF  }
0xa5: {  	s26 =	simm.s32 $execute0_lowered;
	[smem:$0x3FD2] =	sst s25  }
0xa6: {  	s5 =	sshll.u32 s26, $0x1;
	_ =	strace $0x80000046;
	[dreg:$0x1] =	wrdreg $0xFFFFFFFF  }
0xa7: {  	s28 =	simm.s32 $_size_execute0_lowered;
	s3 =	sadd.s32 s3, s5;
	[dreg:$0x0] =	wrdreg $0x0  }
0xa8: {  	s5 =	sshll.u32 s28, $0x1;
	[dreg:$0x2] =	wrdreg s3  }
0xa9: {  	[dreg:$0x3] =	wrdreg s5  }
0xaa: {  	[dreg:$0x4] =	wrdreg $0xC0  }
0xab: {  	_ =	task [dreg:s7], $0x5FFFF  }
0xac: {  	[dreg:$0x1] =	wrdreg $0xFFFFFFFF  }
0xad: {  	[dreg:$0x0] =	wrdreg $0x60  }
0xae: {  	[dreg:$0x2] =	wrdreg s2  }
0xaf: {  	[dreg:$0x3] =	wrdreg s24  }
0xb0: {  	[dreg:$0x4] =	wrdreg $0x9  }
0xb1: {  	_ =	task.clear_ibuf [dreg:s7], $0x5FFFF;
	_ =	strace $0x90000046  }
0xb2: {  	s29 =	simm.s32 $0x9;
	_ =	strace $0x80000048  }
0xb3: {  	_ =	swait.ge [sflag:s29], $0x1  }
0xb4: {  	[sflag:s29] =	ssyncadd.s32 $0xFFFFFFFF  }
0xb5: {  	_ =	strace $0x90000048  }
0xb6: {  	_ =	sfence  }
0xb7: {  	s30 =	sld [smem:$0x0];
	_ =	sdelay $0x2  }
0xb8: {  	s31 =	sshll.u32 s1, $0xD;
	s1 =	sshrl.u32 s1, $0x2  }
0xb9: {  	s3 =	sand.u32 $0x4000, s31;
	s1 =	sadd.s32 s1, s30  }
0xba: {  	s0 =	sor.u32 s3, s0;
	s1 =	sshll.u32 s1, $0x11  }
0xbb: {  	s0 =	sor.u32 s1, s0  }
0xbc: {  	s0 =	sadd.s32 $0x8F2B, s0  }
0xbd: {  	[sflag:s0] =	ssyncadd.remote.s32 $0x1  }
0xbe: {  	_ =	sfence.sel $0xFFFF  }
0xbf: {  	[dreg:$0x0] =	wrdreg $0xFFFFFFFF;
	(pc) =	sbr.abs _section_cstart, $3  }
0xc0: {  	[dreg:$0x1] =	wrdreg $0xFFFFFFFF  }
0xc1: {  	_ =	task.clear_ibuf [dreg:s7], $0x2FFFF;
	_ =	strace $0x9FFFFFFF  }
0xc2: {  	(tm) =	ssettm $0x7FFFFFFF  }
0xc3: {  	_ =	shalt  }
tec
execute0_lowered:
.L_overlay_start_1:
0x0: {  	(tag) =	ssettag $0x1  }
0x1: {  	s0 =	rddreg [dreg:$0x0]  }
0x2: {  	s2 =	rddreg [dreg:$0x1];
	s1 =	simm.s32 $0x0  }
0x3: {  	s4 =	srdreg.scid;
	s12 =	stileid.u32;
	s14 =	simm.s32 $0xB  }
0x4: {  	s15 =	simm.s32 $0x6400;
	s16 =	simm.s32 $0xA400;
	s18 =	simm.s32 $0xE400  }
0x5: {  	s28 =	simm.s32 $0x3;
	s29 =	simm.s32 $0x8;
	s30 =	simm.s32 $0x4  }
0x6: {  	s31 =	simm.s32 $0x9;
	s13 =	simm.s32 $0x0;
	[smem:$0x7FF] =	sst s1  }
0x7: {  	s3 =	sadd.s32 $0xF42E00, s2;
	s8 =	sand.u32 $0x1, s4;
	s23 =	smul.u32 $0x190, s12  }
0x8: {  	s19 =	sshll.u32 s12, $0x1;
	s5 =	sshrl.u32 s12, $0x2;
	s25 =	smul.u32 $0xC8000, s12  }
0x9: {  	s12 =	simm.s32 $0x80;
	_ =	strace $0x80000047;
	s5 =	smul.u32 $0x32000, s5  }
0xa: {  	s6 =	ssub.s32 $0x2, s8;
	s4 =	sor.u32 s8, s19;
	s11 =	smul.u32 $0xC8, s8  }
0xb: {  	s26 =	smul.u32 $0x64000, s8;
	s7 =	sshrl.u32 s6, $0x1;
	s9 =	sshll.u32 s4, $0x7  }
0xc: {  	s10 =	smul.u32 $0x320000, s4;
	s4 =	sadd.s32 $0xA00, s2;
	s2 =	simm.s32 $0xA  }
0xd: {  	s20 =	ssub.s32 s6, s7;
	s21 =	sand.u32 $0x380, s9;
	s11 =	sadd.s32 s11, s23  }
0xe: {  	s23 =	simm.s32 $0x1;
	s5 =	sor.u32 s5, s21;
	s22 =	sshrl.u32 s10, $0x3  }
0xf: {  	s11 =	sshll.u32 s11, $0xB;
	s5 =	sshrl.u32 s5, $0x3;
	s10 =	sadd.s32 s4, s22  }
0x10: {  	[dreg:$0x3] =	wrdreg s11;
	s11 =	smax.u32 s20, $0x1;
	s20 =	simm.s32 $0x12400  }
0x11: {  	s22 =	simm.s32 $0x16400;
	s0 =	sadd.s32 s0, s5;
	s24 =	sadd.s32 $0x61800, s10  }
0x12: {  	s7 =	sadd.s32 $0x62000, s10;
	s8 =	sadd.s32 $0x62800, s10;
	[dreg:$0x5] =	wrdreg s0  }
0x13: {  	s9 =	sadd.s32 $0x63000, s10;
	s10 =	sadd.s32 $0x63800, s10;
	[dreg:$0x6] =	wrdreg s24  }
0x14: {  	s0 =	sadd.s32 s26, s25;
	s24 =	simm.s32 $0x6;
	s25 =	simm.s32 $0x2  }
0x15: {  	s26 =	simm.s32 $0x7;
	[dreg:$0x4] =	wrdreg s0;
	s0 =	simm.s32 $0x5  }
.LBB2_1:
0x16: {  	s5 =	rddreg [dreg:$0x5];
	s6 =	simm.s32 $0x400  }
0x17: {  	[tilespmem:s1], [sflag:$0xB] =	stream.strided.gather [hbm4b:s5+s12], $0x6400, s6, s12, $0x38;
	[tilespmem:$0x1A400] =	vst v63  }
0x18: {  	_ =	swait.ge [sflag:s14], $0x6400  }
0x19: {  	[sflag:s14] =	ssyncset.done $0x0  }
0x1a: {  	[sflag:s14] =	ssyncadd.s32 $0xFFFF9C00  }
0x1b: {  	[tilespmem:s15], [sflag:$0x1] =	stream.indirect.gather [hbm4b:s3+s12], $0x80, s1, s12, $0xb8;
	[tilespmem:$0x1A400] =	vst v63  }
0x1c: {  	_ = 	snop  }
0x1d: {  	[tilespmem:s16], [sflag:$0x2] =	stream.indirect.gather [hbm4b:s3+s12], $0x80, s12, s12, $0xb8;
	[tilespmem:$0x1A400] =	vst v63  }
0x1e: {  	s6 =	simm.s32 $0x100  }
0x1f: {  	[tilespmem:s18], [sflag:$0x3] =	stream.indirect.gather [hbm4b:s3+s12], $0x80, s6, s12, $0xb8;
	[tilespmem:$0x1A400] =	vst v63  }
0x20: {  	s17 =	simm.s32 $0x180  }
0x21: {  	[tilespmem:s20], [sflag:$0x4] =	stream.indirect.gather [hbm4b:s3+s12], $0x80, s17, s12, $0xb8;
	[tilespmem:$0x1A400] =	vst v63  }
0x22: {  	s19 =	simm.s32 $0x200  }
0x23: {  	[tilespmem:s22], [sflag:$0x5] =	stream.indirect.gather [hbm4b:s3+s12], $0x80, s19, s12, $0xb8;
	[tilespmem:$0x1A400] =	vst v63  }
0x24: {  	_ =	swait.ge [sflag:s23], $0x4000  }
0x25: {  	s17 =	rddreg [dreg:$0x4];
	[sflag:s23] =	ssyncset.done $0x0  }
0x26: {  	[sflag:s23] =	ssyncadd.s32 $0xFFFFC000;
	s17 =	sadd.s32 s4, s17  }
0x27: {  	[hbm4b:s17+s1] =	stream.linear.scatter [tilespmem:s15], [sflag:$0x6], $0x4000, $0x38;
	[tilespmem:$0x1A400] =	vst v63  }
0x28: {  	_ =	swait.ge [sflag:s24], $0x4000  }
0x29: {  	[sflag:s24] =	ssyncset.done $0x0  }
0x2a: {  	s21 =	simm.s32 $0x280;
	[sflag:s24] =	ssyncadd.s32 $0xFFFFC000  }
0x2b: {  	[tilespmem:s15], [sflag:$0x1] =	stream.indirect.gather [hbm4b:s3+s12], $0x80, s21, s12, $0xb8;
	[tilespmem:$0x1A400] =	vst v63  }
0x2c: {  	_ =	swait.ge [sflag:s25], $0x4000  }
0x2d: {  	s5 =	rddreg [dreg:$0x3]  }
0x2e: {  	[sflag:s25] =	ssyncset.done $0x0;
	s17 =	sadd.s32 s4, s5  }
0x2f: {  	[sflag:s25] =	ssyncadd.s32 $0xFFFFC000;
	s19 =	sadd.s32 $0x800, s17  }
0x30: {  	[hbm4b:s19+s1] =	stream.linear.scatter [tilespmem:s16], [sflag:$0x7], $0x4000, $0x38;
	[tilespmem:$0x1A400] =	vst v63  }
0x31: {  	_ =	swait.ge [sflag:s26], $0x4000  }
0x32: {  	[sflag:s26] =	ssyncset.done $0x0  }
0x33: {  	s6 =	simm.s32 $0x300;
	[sflag:s26] =	ssyncadd.s32 $0xFFFFC000  }
0x34: {  	[tilespmem:s16], [sflag:$0x2] =	stream.indirect.gather [hbm4b:s3+s12], $0x80, s6, s12, $0xb8;
	[tilespmem:$0x1A400] =	vst v63  }
0x35: {  	_ =	swait.ge [sflag:s28], $0x4000  }
0x36: {  	[sflag:s28] =	ssyncset.done $0x0  }
0x37: {  	s21 =	sadd.s32 $0x1000, s17;
	[sflag:s28] =	ssyncadd.s32 $0xFFFFC000  }
0x38: {  	[hbm4b:s21+s1] =	stream.linear.scatter [tilespmem:s18], [sflag:$0x8], $0x4000, $0x38;
	[tilespmem:$0x1A400] =	vst v63  }
0x39: {  	_ =	swait.ge [sflag:s29], $0x4000  }
0x3a: {  	[sflag:s29] =	ssyncset.done $0x0  }
0x3b: {  	s5 =	simm.s32 $0x380;
	[sflag:s29] =	ssyncadd.s32 $0xFFFFC000  }
0x3c: {  	[tilespmem:s18], [sflag:$0x3] =	stream.indirect.gather [hbm4b:s3+s12], $0x80, s5, s12, $0xb8;
	[tilespmem:$0x1A400] =	vst v63  }
0x3d: {  	_ =	swait.ge [sflag:s30], $0x4000  }
0x3e: {  	[sflag:s30] =	ssyncset.done $0x0  }
0x3f: {  	s6 =	sadd.s32 $0x1800, s17;
	[sflag:s30] =	ssyncadd.s32 $0xFFFFC000  }
0x40: {  	[hbm4b:s6+s1] =	stream.linear.scatter [tilespmem:s20], [sflag:$0x9], $0x4000, $0x38;
	[tilespmem:$0x1A400] =	vst v63  }
0x41: {  	_ =	swait.ge [sflag:s31], $0x4000  }
0x42: {  	[sflag:s31] =	ssyncset.done $0x0  }
0x43: {  	s21 =	simm.s32 $0x400;
	[sflag:s31] =	ssyncadd.s32 $0xFFFFC000  }
0x44: {  	[tilespmem:s20], [sflag:$0x4] =	stream.indirect.gather [hbm4b:s3+s12], $0x80, s21, s12, $0xb8;
	[tilespmem:$0x1A400] =	vst v63  }
0x45: {  	_ =	swait.ge [sflag:s0], $0x4000  }
0x46: {  	[sflag:s0] =	ssyncset.done $0x0  }
0x47: {  	s17 =	sadd.s32 $0x2000, s17;
	[sflag:s0] =	ssyncadd.s32 $0xFFFFC000  }
0x48: {  	[hbm4b:s17+s1] =	stream.linear.scatter [tilespmem:s22], [sflag:$0xA], $0x4000, $0x38;
	[tilespmem:$0x1A400] =	vst v63  }
0x49: {  	_ =	swait.ge [sflag:s2], $0x4000  }
0x4a: {  	s19 =	sadd.s32 $0x2800, s4;
	[sflag:s2] =	ssyncset.done $0x0  }
0x4b: {  	s21 =	simm.s32 $0x480;
	s17 =	simm.s32 $0xA00;
	[sflag:s2] =	ssyncadd.s32 $0xFFFFC000  }
.LBB2_2:
0x4c: {  	[tilespmem:s22], [sflag:$0x5] =	stream.indirect.gather [hbm4b:s3+s12], $0x80, s21, s12, $0xb8;
	[tilespmem:$0x1A400] =	vst v63  }
0x4d: {  	_ =	swait.ge [sflag:s23], $0x4000  }
0x4e: {  	s5 =	rddreg [dreg:$0x4];
	[sflag:s23] =	ssyncset.done $0x0  }
0x4f: {  	[sflag:s23] =	ssyncadd.s32 $0xFFFFC000;
	s5 =	sadd.s32 s19, s5  }
0x50: {  	[hbm4b:s5+s1] =	stream.linear.scatter [tilespmem:s15], [sflag:$0x6], $0x4000, $0x38;
	[tilespmem:$0x1A400] =	vst v63  }
0x51: {  	s6 =	smov.u32 s17;
	_ =	swait.ge [sflag:s24], $0x4000  }
0x52: {  	s21 =	sshra.s32 s6, $0x2;
	[sflag:s24] =	ssyncset.done $0x0  }
0x53: {  	s6 =	sadd.s32 $0x280, s21;
	[sflag:s24] =	ssyncadd.s32 $0xFFFFC000  }
0x54: {  	[tilespmem:s15], [sflag:$0x1] =	stream.indirect.gather [hbm4b:s3+s12], $0x80, s6, s12, $0xb8;
	[tilespmem:$0x1A400] =	vst v63  }
0x55: {  	_ =	swait.ge [sflag:s25], $0x4000  }
0x56: {  	s6 =	rddreg [dreg:$0x3]  }
0x57: {  	[sflag:s25] =	ssyncset.done $0x0;
	s5 =	sadd.s32 s19, s6  }
0x58: {  	[sflag:s25] =	ssyncadd.s32 $0xFFFFC000;
	s6 =	sadd.s32 $0x800, s5  }
0x59: {  	[hbm4b:s6+s1] =	stream.linear.scatter [tilespmem:s16], [sflag:$0x7], $0x4000, $0x38;
	[tilespmem:$0x1A400] =	vst v63  }
0x5a: {  	_ =	swait.ge [sflag:s26], $0x4000  }
0x5b: {  	[sflag:s26] =	ssyncset.done $0x0  }
0x5c: {  	s6 =	sadd.s32 $0x300, s21;
	[sflag:s26] =	ssyncadd.s32 $0xFFFFC000  }
0x5d: {  	[tilespmem:s16], [sflag:$0x2] =	stream.indirect.gather [hbm4b:s3+s12], $0x80, s6, s12, $0xb8;
	[tilespmem:$0x1A400] =	vst v63  }
0x5e: {  	_ =	swait.ge [sflag:s28], $0x4000  }
0x5f: {  	[sflag:s28] =	ssyncset.done $0x0  }
0x60: {  	s6 =	sadd.s32 $0x1000, s5;
	[sflag:s28] =	ssyncadd.s32 $0xFFFFC000  }
0x61: {  	[hbm4b:s6+s1] =	stream.linear.scatter [tilespmem:s18], [sflag:$0x8], $0x4000, $0x38;
	[tilespmem:$0x1A400] =	vst v63  }
0x62: {  	_ =	swait.ge [sflag:s29], $0x4000  }
0x63: {  	[sflag:s29] =	ssyncset.done $0x0  }
0x64: {  	s6 =	sadd.s32 $0x380, s21;
	[sflag:s29] =	ssyncadd.s32 $0xFFFFC000  }
0x65: {  	[tilespmem:s18], [sflag:$0x3] =	stream.indirect.gather [hbm4b:s3+s12], $0x80, s6, s12, $0xb8;
	[tilespmem:$0x1A400] =	vst v63  }
0x66: {  	_ =	swait.ge [sflag:s30], $0x4000  }
0x67: {  	[sflag:s30] =	ssyncset.done $0x0  }
0x68: {  	s6 =	sadd.s32 $0x1800, s5;
	[sflag:s30] =	ssyncadd.s32 $0xFFFFC000  }
0x69: {  	[hbm4b:s6+s1] =	stream.linear.scatter [tilespmem:s20], [sflag:$0x9], $0x4000, $0x38;
	[tilespmem:$0x1A400] =	vst v63  }
0x6a: {  	_ =	swait.ge [sflag:s31], $0x4000  }
0x6b: {  	[sflag:s31] =	ssyncset.done $0x0  }
0x6c: {  	s6 =	sadd.s32 $0x400, s21;
	[sflag:s31] =	ssyncadd.s32 $0xFFFFC000  }
0x6d: {  	[tilespmem:s20], [sflag:$0x4] =	stream.indirect.gather [hbm4b:s3+s12], $0x80, s6, s12, $0xb8;
	[tilespmem:$0x1A400] =	vst v63  }
0x6e: {  	_ =	swait.ge [sflag:s0], $0x4000  }
0x6f: {  	p0 =	sne.s32 s17, $0x17C00;
	[sflag:s0] =	ssyncset.done $0x0  }
.Ltmp0:
0x70: {  	s5 =	sadd.s32 $0x2000, s5;
	[sflag:s0] =	ssyncadd.s32 $0xFFFFC000;
	(pc) =	sbr.rel @p0 .LBB2_2-.Ltmp0, $4  }
0x71: {  	[hbm4b:s5+s1] =	stream.linear.scatter [tilespmem:s22], [sflag:$0xA], $0x4000, $0x38;
	[tilespmem:$0x1A400] =	vst v63  }
0x72: {  	_ =	swait.ge [sflag:s2], $0x4000  }
0x73: {  	s17 =	sadd.s32 $0xA00, s17;
	[sflag:s2] =	ssyncset.done $0x0  }
0x74: {  	s19 =	sadd.s32 $0x2800, s19;
	s21 =	sadd.s32 $0x480, s21;
	[sflag:s2] =	ssyncadd.s32 $0xFFFFC000  }
0x75: {  	[tilespmem:s22], [sflag:$0x5] =	stream.indirect.gather [hbm4b:s3+s12], $0x80, s21, s12, $0xb8;
	[tilespmem:$0x1A400] =	vst v63  }
0x76: {  	_ =	swait.ge [sflag:s23], $0x4000  }
0x77: {  	[sflag:s23] =	ssyncset.done $0x0  }
0x78: {  	s5 =	rddreg [dreg:$0x6];
	[sflag:s23] =	ssyncadd.s32 $0xFFFFC000  }
0x79: {  	[hbm4b:s5+s1] =	stream.linear.scatter [tilespmem:s15], [sflag:$0x6], $0x4000, $0x38;
	[tilespmem:$0x1A400] =	vst v63  }
0x7a: {  	_ =	swait.ge [sflag:s24], $0x4000  }
0x7b: {  	[sflag:s24] =	ssyncset.done $0x0  }
0x7c: {  	[sflag:s24] =	ssyncadd.s32 $0xFFFFC000  }
0x7d: {  	_ =	swait.ge [sflag:s25], $0x4000  }
0x7e: {  	[sflag:s25] =	ssyncset.done $0x0  }
0x7f: {  	[sflag:s25] =	ssyncadd.s32 $0xFFFFC000  }
0x80: {  	[hbm4b:s7+s1] =	stream.linear.scatter [tilespmem:s16], [sflag:$0x7], $0x4000, $0x38;
	[tilespmem:$0x1A400] =	vst v63  }
0x81: {  	_ =	swait.ge [sflag:s26], $0x4000  }
0x82: {  	[sflag:s26] =	ssyncset.done $0x0  }
0x83: {  	[sflag:s26] =	ssyncadd.s32 $0xFFFFC000  }
0x84: {  	_ =	swait.ge [sflag:s28], $0x4000  }
0x85: {  	[sflag:s28] =	ssyncset.done $0x0  }
0x86: {  	[sflag:s28] =	ssyncadd.s32 $0xFFFFC000  }
0x87: {  	[hbm4b:s8+s1] =	stream.linear.scatter [tilespmem:s18], [sflag:$0x8], $0x4000, $0x38;
	[tilespmem:$0x1A400] =	vst v63  }
0x88: {  	_ =	swait.ge [sflag:s29], $0x4000  }
0x89: {  	[sflag:s29] =	ssyncset.done $0x0  }
0x8a: {  	[sflag:s29] =	ssyncadd.s32 $0xFFFFC000  }
0x8b: {  	_ =	swait.ge [sflag:s30], $0x4000  }
0x8c: {  	[sflag:s30] =	ssyncset.done $0x0  }
0x8d: {  	[sflag:s30] =	ssyncadd.s32 $0xFFFFC000  }
0x8e: {  	[hbm4b:s9+s1] =	stream.linear.scatter [tilespmem:s20], [sflag:$0x9], $0x4000, $0x38;
	[tilespmem:$0x1A400] =	vst v63  }
0x8f: {  	_ =	swait.ge [sflag:s31], $0x4000  }
0x90: {  	[sflag:s31] =	ssyncset.done $0x0  }
0x91: {  	[sflag:s31] =	ssyncadd.s32 $0xFFFFC000  }
0x92: {  	s13 =	sadd.s32 $0x1, s13;
	_ =	swait.ge [sflag:s0], $0x4000  }
0x93: {  	p0 =	sne.s32 s13, s11;
	[sflag:s0] =	ssyncset.done $0x0  }
.Ltmp1:
0x94: {  	[sflag:s0] =	ssyncadd.s32 $0xFFFFC000;
	(pc) =	sbr.rel @p0 .LBB2_1-.Ltmp1, $4  }
0x95: {  	[hbm4b:s10+s1] =	stream.linear.scatter [tilespmem:s22], [sflag:$0xA], $0x4000, $0x38;
	[tilespmem:$0x1A400] =	vst v63  }
0x96: {  	_ =	swait.ge [sflag:s2], $0x4000  }
0x97: {  	[sflag:s2] =	ssyncset.done $0x0  }
0x98: {  	[sflag:s2] =	ssyncadd.s32 $0xFFFFC000  }
0x99: {  	_ =	sfence.sel $0x180000  }
0x9a: {  	[bflag:$0x0] =	sbarrier.arrive $0xFFFF  }
0x9b: {  	_ =	strace $0x90000047  }
0x9c: {  	s0 =	stileid.u32;
	[bflag:$0x2] =	sbarrier.arrive $0xFFFF  }
0x9d: {  	p0 =	sne.s32 s0, $0x0;
	s0 =	rddreg [dreg:$0x2]  }
0x9e: {  	s0 =	sadd.s32 @!p0 $0x100000, s0  }
0x9f: {  	[sflag:s0] =	ssyncadd.tile.s32 @!p0 $0x1;
	_ =	shalt  }
.Lfunc_end2:
_tile_overlayer_lowered:
.L_overlay_start_2:
0xa0: {  	(tag) =	ssettag $0x2  }
0xa1: {  	s0 =	rddreg [dreg:$0x0];
	s2 =	stileid.u32  }
0xa2: {  	s1 =	rddreg [dreg:$0x1];
	p0 =	sne.s32 s2, $0x0  }
0xa3: {  	s3 =	rddreg [dreg:$0x2];
	[bflag:$0x3] =	sbarrier.arrive $0xFFFF;
	s2 =	simm.s32 @!p0 $0x1C0B  }
0xa4: {  	[timem:s3], [sflag:s2] =	dma.local @!p0 [hbm:s0], s1  }
0xa5: {  	s0 =	simm.s32 @!p0 $0xB  }
0xa6: {  	_ =	swait.ge @!p0 [sflag:s0], s1  }
0xa7: {  	s1 =	ssub.s32 @!p0 $0x0, s1;
	[sflag:s0] =	ssyncset.done @!p0 $0x0  }
0xa8: {  	[sflag:s0] =	ssyncadd.s32 @!p0 s1  }
0xa9: {  	[bflag:$0x3] =	sbarrier.arrive $0xFFFF  }
0xaa: {  	_ =	shalt  }

// kernel: sparse-core-data-format-call.cloned.1.call-start
scs
called_computation_lowered:
.L_overlay_start_0:
0x0: {  	s2 =	sld [smem:$0x3FD9]  }
0x1: {  	s3 =	sld [smem:$0x3FFE];
	_ =	sdelay $0x1  }
0x2: {  	s1 =	srdreg.scid  }
0x3: {  	s0 =	sand.u32 $0x1, s1  }
0x4: {  	s18 =	sshll.u32 s0, $0xA;
	s2 =	sadd.s32 s3, s2  }
0x5: {  	s2 =	sadd.s32 s2, s18  }
0x6: {  	[smem:$0x3FC6] =	sst s2  }
0x7: {  	_ = 	snop  }
0x8: {  	s2 =	sld [smem:$0x3FD0];
	(tm) =	ssettm $0x1  }
0x9: {  	s19 =	sld [smem:$0x3FFB];
	_ =	sdelay $0x3  }
0xa: {  	_ =	strace s19  }
0xb: {  	s3 =	sld [smem:$0x3FFC];
	_ =	sdelay $0x3  }
0xc: {  	_ =	strace s3  }
0xd: {  	s3 =	sld [smem:$0x3FFD];
	_ =	sdelay $0x3  }
0xe: {  	_ =	strace s3  }
0xf: {  	_ =	strace $0x8FFFFFFF  }
0x10: {  	s20 =	sld [smem:$0x3FDB];
	_ =	sdelay $0x1  }
0x11: {  	s4 =	simm.s32 $_scs_section_size  }
0x12: {  	s5 =	simm.s32 $_size__tile_overlayer_lowered;
	s6 =	simm.s32 $_tile_overlayer_lowered  }
0x13: {  	s23 =	simm.s32 $0x1BFF;
	s22 =	sshll.u32 s6, $0x1;
	s3 =	sadd.s32 s4, s20  }
0x14: {  	s7 =	simm.s32 $0x0;
	s21 =	sshll.u32 s5, $0x1;
	s5 =	sadd.s32 s22, s3  }
0x15: {  	[timem:s7], [sflag:s23] =	dma.local [hbm:s5], s21  }
0x16: {  	_ =	swait.ge [sflag:s23], s21  }
0x17: {  	s4 =	ssub.s32 $0x0, s21;
	[sflag:s23] =	ssyncset.done $0x0  }
0x18: {  	[sflag:s23] =	ssyncadd.s32 s4;
	_ =	sdelay $0x1  }
0x19: {  	s24 =	simm.s32 $0x1B8B  }
0x1a: {  	_ =	swait.ge [sflag:s24], $0x1  }
0x1b: {  	[sflag:s24] =	ssyncset.done $0x0  }
0x1c: {  	s26 =	simm.s32 $0x1B8E;
	s25 =	sld [smem:$0x3FFE];
	[sflag:s24] =	ssyncadd.s32 $0xFFFFFFFF  }
0x1d: {  	s27 =	simm.s32 $execute0_lowered;
	[smem:$0x3FD2] =	sst s26  }
0x1e: {  	s5 =	sshll.u32 s27, $0x1;
	_ =	strace $0x80000049;
	[dreg:$0x1] =	wrdreg $0xFFFFFFFF  }
0x1f: {  	s28 =	simm.s32 $_size_execute0_lowered;
	s3 =	sadd.s32 s3, s5;
	[dreg:$0x0] =	wrdreg $0x0  }
0x20: {  	s5 =	sshll.u32 s28, $0x1;
	[dreg:$0x2] =	wrdreg s3  }
0x21: {  	[dreg:$0x3] =	wrdreg s5  }
0x22: {  	[dreg:$0x4] =	wrdreg $0xC0  }
0x23: {  	_ =	task [dreg:s7], $0x5FFFF  }
0x24: {  	[dreg:$0x1] =	wrdreg $0xFFFFFFFF  }
0x25: {  	[dreg:$0x0] =	wrdreg $0x60  }
0x26: {  	[dreg:$0x2] =	wrdreg s25  }
0x27: {  	[dreg:$0x3] =	wrdreg s2  }
0x28: {  	[dreg:$0x4] =	wrdreg $0x9  }
0x29: {  	_ =	task.clear_ibuf [dreg:s7], $0x5FFFF;
	_ =	strace $0x90000049  }
0x2a: {  	s29 =	simm.s32 $0x9;
	_ =	strace $0x8000004B  }
0x2b: {  	_ =	swait.ge [sflag:s29], $0x1  }
0x2c: {  	[sflag:s29] =	ssyncadd.s32 $0xFFFFFFFF  }
0x2d: {  	_ =	strace $0x9000004B  }
0x2e: {  	_ =	sfence  }
0x2f: {  	s30 =	sld [smem:$0x0];
	_ =	sdelay $0x2  }
0x30: {  	s31 =	sshll.u32 s1, $0xD;
	s1 =	sshrl.u32 s1, $0x2  }
0x31: {  	s3 =	sand.u32 $0x4000, s31;
	s1 =	sadd.s32 s1, s30  }
0x32: {  	s0 =	sor.u32 s3, s0;
	s1 =	sshll.u32 s1, $0x11  }
0x33: {  	s0 =	sor.u32 s1, s0  }
0x34: {  	s0 =	sadd.s32 $0x8F2B, s0  }
0x35: {  	[sflag:s0] =	ssyncadd.remote.s32 $0x1  }
0x36: {  	_ =	sfence.sel $0xFFFF  }
0x37: {  	[dreg:$0x0] =	wrdreg $0xFFFFFFFF;
	(pc) =	sbr.abs _section_cstart, $3  }
0x38: {  	[dreg:$0x1] =	wrdreg $0xFFFFFFFF  }
0x39: {  	_ =	task.clear_ibuf [dreg:s7], $0x2FFFF;
	_ =	strace $0x9FFFFFFF  }
0x3a: {  	(tm) =	ssettm $0x7FFFFFFF  }
0x3b: {  	_ =	shalt  }
tec
execute0_lowered:
.L_overlay_start_1:
0x0: {  	(tag) =	ssettag $0x1  }
0x1: {  	s0 =	srdreg.scid  }
0x2: {  	s1 =	sshll.u32 s0, $0x4  }
0x3: {  	s0 =	stileid.u32;
	s1 =	sand.u32 $0x10, s1  }
0x4: {  	s1 =	sor.u32 s0, s1  }
0x5: {  	s6 =	rddreg [dreg:$0x0];
	s4 =	simm.s32 $0x1;
	s2 =	sshll.u32 s1, $0x7  }
0x6: {  	s7 =	simm.s32 $0x2;
	s12 =	simm.s32 $0x0;
	s1 =	ssub.s32 $0x1000, s2  }
0x7: {  	s8 =	simm.s32 $0x8000;
	s13 =	simm.s32 $0x0;
	s3 =	sand.u32 $0xF80, s1  }
0x8: {  	s9 =	simm.s32 $0x0;
	s5 =	sshrl.u32 s1, $0xC;
	p0 =	sne.s32 s3, $0x0  }
.Ltmp0:
0x9: {  	s1 =	rddreg [dreg:$0x2];
	s4 =	simm.s32 @!p0 $0x0;
	(pc) =	sbr.rel .LBB1_1-.Ltmp0, $4  }
0xa: {  	s11 =	simm.s32 $0x0;
	s3 =	rddreg [dreg:$0x1];
	s5 =	sadd.s32 s4, s5  }
0xb: {  	_ =	strace $0x8000004A;
	s4 =	simm.s32 $0x1;
	s5 =	smul.u32 $0xC8, s5  }
0xc: {  	s6 =	sadd.s32 $0xA00, s6;
	s10 =	smov.u32 s2;
	[sflag:s4] =	ssyncpa.u1 $0x0  }
0xd: {  	p0 =	por $0x0, $0x0;
	[sflag:s7] =	ssyncpa.u1 $0x0;
	s7 =	sor.u32 $0x1, s5  }
.LBB1_4:
0xe: {  	s16 =	sshll.u32 s13, $0x3;
	s17 =	sand.u32 $0x78, s13  }
0xf: {  	s30 =	sand.u32 $0x7E00, s13;
	s12 =	sshll.u32 s12, $0xF;
	s16 =	sand.u32 $0xC00, s16  }
0x10: {  	[tilespmem:s15+$0x810 ss:$0x81] =	vst.msk $0xffff, v2;
	s31 =	sand.u32 $0x7, s13;
	s16 =	sor.u32 s17, s16;
	s17 =	sadd.s32 s3, s30  }
0x11: {  	[tilespmem:s15+$0x1020 ss:$0x81] =	vst.msk $0xffff, v0;
	s13 =	sshll.u32 s31, $0x12;
	s12 =	sadd.s32 s12, s17;
	s16 =	sshrl.u32 s16, $0x3  }
0x12: {  	[tilespmem:s15+$0x0 ss:$0x81] =	vst.msk $0xffff, v1;
	s13 =	sor.u32 $0x400, s13;
	s12 =	sadd.s32 s16, s12  }
0x13: {  	[hbm4b:s12+s13] =	stream.strided.scatter [tilespmem:s14], [sflag:$0x2], $0x2000, s8, s13, $0x20;
	[tilespmem:$0x8080] =	vst v63  }
.LBB1_5:
0x14: {  	s14 =	sadd.s32 $0x1, s9  }
0x15: {  	s12 =	sadd.s32 $0x1000, s10;
	s16 =	smov.u32 s10;
	p2 =	sgt.s32 s14, $0xC7  }
0x16: {  	s16 =	smov.u32 @p2 s12  }
0x17: {  	s14 =	simm.s32 @p2 $0x0;
	p2 =	sgt.s32 s16, $0xFFF  }
0x18: {  	s16 =	smov.u32 @p2 s2;
	p2 =	sne.s32 s11, s7  }
.Ltmp1:
0x19: {  	p1 =	slt.u32 s11, $0x2;
	(pc) =	sbr.rel @!p2 .LBB1_6-.Ltmp1, $4  }
0x1a: {  	s15 =	simm.s32 @!p1 $0x2  }
0x1b: {  	s13 =	smov.u32 s10;
	p0 =	por !p0, !p0;
	_ =	swait.ge @!p1 [sflag:s15], $0x2000  }
0x1c: {  	s12 =	smov.u32 s9;
	[sflag:s15] =	ssyncset.done @!p1 $0x0;
	s9 =	smov.u32 s14  }
0x1d: {  	s11 =	sadd.s32 $0x1, s11;
	[sflag:s15] =	ssyncadd.s32 @!p1 $0xFFFFE000;
	s10 =	smov.u32 s16  }
.LBB1_1:
0x1e: {  	p1 =	sge.u32 s11, s5  }
0x1f: {  	s14 =	sand.u32 @!p1 $0x1FFFFFF, s9  }
0x20: {  	s15 =	smulhi.u32 @!p1 $0x147AE15, s14;
	_ =	sdelay $0x1  }
0x21: {  	s15 =	smul.u32 @!p1 $0xC8, s15  }
0x22: {  	s16 =	sxor.u32 @!p1 $0xFFFFFFFF, s11;
	s17 =	smul.u32 @!p1 $0xC80, s10  }
0x23: {  	s31 =	sadd.s32 $0xFFFFFFFF, s11;
	s16 =	sshll.u32 @!p1 s16, $0xD;
	s14 =	ssub.s32 @!p1 s14, s15  }
0x24: {  	s15 =	sand.u32 @!p1 $0x2000, s16;
	s16 =	sadd.s32 @!p1 s6, s17;
	s14 =	sshll.u32 @!p1 s14, $0x4  }
0x25: {  	s17 =	simm.s32 @!p1 $0x6400;
	s14 =	sadd.s32 @!p1 s14, s16;
	s16 =	simm.s32 @!p1 $0x40  }
0x26: {  	[tilespmem:s15], [sflag:$0x1] =	stream.strided.gather @!p1 [hbm4b:s14+s16], $0x2000, s17, s16, $0x38;
	[tilespmem:$0x8080] =	vst v63  }
0x27: {  	p1 =	sge.u32 s31, s5  }
.Ltmp2:
0x28: {  	_ = 	snop;
	(pc) =	sbr.rel @p1 .LBB1_5-.Ltmp2, $1  }
0x29: {  	_ =	sdelay $0x3  }
0x2a: {  	s14 =	simm.s32 $0x1  }
0x2b: {  	_ =	swait.ge [sflag:s4], $0x2000;
	s14 =	simm.s32 @!p0 $0x0  }
0x2c: {  	[sflag:s4] =	ssyncset.done $0x0;
	s15 =	sshll.u32 s14, $0xD  }
0x2d: {  	[sflag:s4] =	ssyncadd.s32 $0xFFFFE000;
	s18 =	sor.u32 $0x20, s15  }
0x2e: {  	s14 =	smul.u32 $0x8100, s14;
	v3 =	vld [tilespmem:s18+$0x10]  }
0x2f: {  	s30 =	sand.u32 $0x1, s11;
	v2 =	vld [tilespmem:s18+$0xFFFFFFF0]  }
0x30: {  	s15 =	smul.u32 $0x8100, s30;
	s14 =	sshrl.u32 s14, $0x2;
	v0 =	vld [tilespmem:s18+$0x0]  }
0x31: {  	v1 =	vld [tilespmem:s18+$0xFFFFFFE0];
	s16 =	sor.u32 $0x4000, s14  }
0x32: {  	s31 =	sshrl.u32 s15, $0x2;
	s15 =	sadd.s32 $0x0, s16  }
0x33: {  	s17 =	simm.s32 $0x4;
	s18 =	sadd.s32 $0x40, s18;
	s14 =	sor.u32 $0x4000, s31;
	[tilespmem:s15+$0x1830 ss:$0x81] =	vst.msk $0xffff, v3  }
.LBB1_3:
0x34: {  	v3 =	vld [tilespmem:s18+$0x10];
	p1 =	sne.s32 s17, $0x1FC;
	[tilespmem:s15+$0x810 ss:$0x81] =	vst.msk $0xffff, v2;
	s19 =	smov.u32 s17;
	s17 =	sadd.s32 $0x4, s17  }
.Ltmp3:
0x35: {  	v2 =	vld [tilespmem:s18+$0xFFFFFFF0];
	[tilespmem:s15+$0x1020 ss:$0x81] =	vst.msk $0xffff, v0;
	(pc) =	sbr.rel @p1 .LBB1_3-.Ltmp3, $4  }
0x36: {  	v0 =	vld [tilespmem:s18+$0x0];
	[tilespmem:s15+$0x0 ss:$0x81] =	vst.msk $0xffff, v1  }
0x37: {  	s15 =	sshra.s32 s19, $0x2;
	v1 =	vld [tilespmem:s18+$0xFFFFFFE0]  }
0x38: {  	s15 =	sadd.s32 s15, s16  }
0x39: {  	s18 =	sadd.s32 $0x40, s18;
	[tilespmem:s15+$0x1830 ss:$0x81] =	vst.msk $0xffff, v3  }
.Ltmp4:
0x3a: {  	_ = 	snop;
	(pc) =	sbr.rel .LBB1_4-.Ltmp4, $1  }
0x3b: {  	_ =	sdelay $0x3  }
.LBB1_6:
0x3c: {  	_ =	sfence.sel $0x180000  }
0x3d: {  	s2 =	simm.s32 $0x1;
	[bflag:$0x0] =	sbarrier.arrive $0xFFFF  }
0x3e: {  	s31 =	simm.s32 $0x2;
	[sflag:s2] =	ssyncpa.u1 $0x1  }
0x3f: {  	[sflag:s31] =	ssyncpa.u1 $0x1  }
0x40: {  	p0 =	sne.s32 s0, $0x0;
	_ =	strace $0x9000004A  }
0x41: {  	s0 =	sadd.s32 @!p0 $0x100000, s1;
	[bflag:$0x2] =	sbarrier.arrive $0xFFFF  }
0x42: {  	[sflag:s0] =	ssyncadd.tile.s32 @!p0 $0x1;
	_ =	shalt  }
.Lfunc_end1:
_tile_overlayer_lowered:
.L_overlay_start_2:
0x43: {  	(tag) =	ssettag $0x2  }
0x44: {  	s0 =	rddreg [dreg:$0x0];
	s2 =	stileid.u32  }
0x45: {  	s1 =	rddreg [dreg:$0x1];
	p0 =	sne.s32 s2, $0x0  }
0x46: {  	s3 =	rddreg [dreg:$0x2];
	[bflag:$0x3] =	sbarrier.arrive $0xFFFF;
	s2 =	simm.s32 @!p0 $0x1C01  }
0x47: {  	[timem:s3], [sflag:s2] =	dma.local @!p0 [hbm:s0], s1  }
0x48: {  	s0 =	simm.s32 @!p0 $0x1  }
0x49: {  	_ =	swait.ge @!p0 [sflag:s0], s1  }
0x4a: {  	s1 =	ssub.s32 @!p0 $0x0, s1;
	[sflag:s0] =	ssyncset.done @!p0 $0x0  }
0x4b: {  	[sflag:s0] =	ssyncadd.s32 @!p0 s1  }
0x4c: {  	[bflag:$0x3] =	sbarrier.arrive $0xFFFF  }
0x4d: {  	_ =	shalt  }

</sc_bundles>
